<compile_context>
chip_gen: v7x
topology: tpu7x:2x2x1
jax: 0.10.2.dev20260603
libtpu: 0.0.44.dev20260713+nightly
codegen_flags: <defaults>
</compile_context>

<pallas_src>
import functools

import jax
import jax.numpy as jnp
from jax import lax
from jax.experimental import pallas as pl
from jax.experimental.pallas import tpu as pltpu
from jax.experimental.pallas import tpu_sc as plsc

DIM = 64
B = 16384
NUM_CARDS = 7
NC = 2
NS = 16
NW = NC * NS
B_PER_W = B // NW
GROUPS = B_PER_W // 16
T_ROWS = 64
WPR = DIM // 2
W_STRIDE = WPR + 1


def _body(idx_hbm, card_hbm, rank_hbm, suit_hbm, out_hbm,
          card_v, rank_v, suit_v, tw_v, idx_v, out_t, tsem, isem):
    wid = lax.axis_index("s") * NC + lax.axis_index("c")
    base = wid * B_PER_W

    idx_copies = [
        pltpu.async_copy(idx_hbm.at[pl.ds(c * B + base, B_PER_W)],
                         idx_v.at[pl.ds(c * B_PER_W, B_PER_W)], isem)
        for c in range(NUM_CARDS)
    ]
    tab_copies = [
        pltpu.async_copy(card_hbm, card_v, tsem),
        pltpu.async_copy(rank_hbm, rank_v, tsem),
        pltpu.async_copy(suit_hbm, suit_v, tsem),
    ]
    for h in tab_copies:
        h.wait()

    zeros16i = jnp.zeros((16,), jnp.int32)

    def tbody(k, carry):
        kr = k // 4
        ks = k - 4 * kr
        for j in range(2):
            sa = pl.ds(j * 32, 16)
            sb = pl.ds(j * 32 + 16, 16)
            a = card_v[k, sa] + rank_v[kr, sa] + suit_v[ks, sa]
            b = card_v[k, sb] + rank_v[kr, sb] + suit_v[ks, sb]
            packed = plsc.pack(a, b, format=plsc.PackFormat.INTERLEAVED)
            tw_v[pl.ds(k * W_STRIDE + j * 16, 16)] = plsc.bitcast(
                packed, jnp.int32)
        return carry

    lax.fori_loop(0, 52, tbody, 0)

    def zbody(k, carry):
        tw_v[pl.ds(k * W_STRIDE, 16)] = zeros16i
        tw_v[pl.ds(k * W_STRIDE + 16, 16)] = zeros16i
        return carry

    lax.fori_loop(52, T_ROWS, zbody, 0)

    for h in idx_copies:
        h.wait()

    @plsc.parallel_loop(0, B_PER_W, step=16)
    def gbody(gs):
        safe_w = []
        for c in range(NUM_CARDS):
            raw = idx_v[pl.ds(c * B_PER_W + gs, 16)]
            safe = jnp.where(raw >= 0, raw, T_ROWS - 1)
            safe_w.append(safe * W_STRIDE)

        for j in range(2):
            wbase = j * 16
            dbase = j * 32

            @plsc.parallel_loop(0, 16, unroll=2)
            def wbody(w):
                acc = plsc.bitcast(
                    plsc.load_gather(tw_v, [safe_w[0] + (wbase + w)]),
                    jnp.bfloat16)
                for c in range(1, NUM_CARDS):
                    acc = acc + plsc.bitcast(
                        plsc.load_gather(tw_v, [safe_w[c] + (wbase + w)]),
                        jnp.bfloat16)
                va, vb = plsc.unpack(acc, format=plsc.PackFormat.INTERLEAVED,
                                     preferred_element_type=jnp.float32)
                out_t[pl.ds((dbase + w) * B_PER_W + gs, 16)] = va
                out_t[pl.ds((dbase + w + 16) * B_PER_W + gs, 16)] = vb

    pltpu.sync_copy(out_t,
                    out_hbm.at[pl.ds(wid * (DIM * B_PER_W), DIM * B_PER_W)])


@functools.partial(jax.jit, static_argnames=())
def _run(idx_t, card_w, rank_w, suit_w):
    mesh = plsc.VectorSubcoreMesh(
        core_axis_name="c", subcore_axis_name="s", num_cores=NC, num_subcores=NS
    )
    return pl.kernel(
        _body,
        out_type=jax.ShapeDtypeStruct((B * DIM,), jnp.float32),
        mesh=mesh,
        compiler_params=pltpu.CompilerParams(needs_layout_passes=False),
        scratch_types=[
            pltpu.VMEM((52, DIM), jnp.float32),
            pltpu.VMEM((13, DIM), jnp.float32),
            pltpu.VMEM((4, DIM), jnp.float32),
            pltpu.VMEM((T_ROWS * W_STRIDE,), jnp.int32),
            pltpu.VMEM((NUM_CARDS * B_PER_W,), jnp.int32),
            pltpu.VMEM((DIM * B_PER_W,), jnp.float32),
            pltpu.SemaphoreType.DMA,
            pltpu.SemaphoreType.DMA,
        ],
    )(idx_t, card_w, rank_w, suit_w)


def kernel(input, card_w, rank_w, suit_w):
    idx_t = input.astype(jnp.int32).T.reshape(-1)
    out = _run(idx_t, card_w, rank_w, suit_w)
    return out.reshape(NW, DIM, B_PER_W).transpose(0, 2, 1).reshape(B, DIM)

# --- scband reference (transcript-rebuilt; emitter-appended) ---
"""Pipeline reference for scband-card-embedding-4312147165553 (READ-ONLY COPY).

The authoritative reference and input builder live on the scoring server;
editing this copy changes nothing except your own understanding.
"""

import jax, jax.numpy as jnp
import numpy as np

DIM = 64
B = 16384
NUM_CARDS = 7

def setup_inputs(seed: int = 0) -> dict:
    key = jax.random.key(seed)
    k1, k2, k3, k4 = jax.random.split(key, 4)
    # card indices in [-1, 51]; use randint in [0,52) then shift some to -1 via mask to exercise 'valid' path
    idx = jax.random.randint(k1, (B, NUM_CARDS), 0, 52, dtype=jnp.int64)
    mask = jax.random.uniform(jax.random.fold_in(k1, 7), (B, NUM_CARDS)) < 0.1
    idx = jnp.where(mask, -1, idx)
    card_w = jax.random.normal(k2, (52, DIM), dtype=jnp.float32)
    rank_w = jax.random.normal(k3, (13, DIM), dtype=jnp.float32)
    suit_w = jax.random.normal(k4, (4, DIM), dtype=jnp.float32)
    return {"input": idx, "card_w": card_w, "rank_w": rank_w, "suit_w": suit_w}

def reference(input, card_w, rank_w, suit_w):
    Bsz, num_cards = input.shape
    x = input.reshape(-1)
    valid = (x >= 0).astype(jnp.float32)
    x = jnp.clip(x, 0, None)
    embs = jnp.take(card_w, x, axis=0) + jnp.take(rank_w, x // 4, axis=0) + jnp.take(suit_w, x % 4, axis=0)
    embs = embs * valid[:, None]
    return embs.reshape(Bsz, num_cards, -1).sum(axis=1)

if __name__ == "__main__":
    import jax
    _d = setup_inputs()
    print(jax.jit(kernel)(*tuple(_d.values())))

</pallas_src>

<mosaic_0001>
#map = affine_map<(d0, d1) -> (0)>
#map1 = affine_map<(d0, d1) -> (0, 0)>
module attributes {stable_mosaic.version = 14 : i64} {
  func.func @_body(%arg0: i32, %arg1: i32, %arg2: memref<114688xi32, #tpu.memory_space<hbm>>, %arg3: memref<52x64xf32, #tpu.memory_space<hbm>>, %arg4: memref<13x64xf32, #tpu.memory_space<hbm>>, %arg5: memref<4x64xf32, #tpu.memory_space<hbm>>, %arg6: memref<1048576xf32, #tpu.memory_space<hbm>>, %arg7: memref<52x64xf32, #tpu.memory_space<vmem>>, %arg8: memref<13x64xf32, #tpu.memory_space<vmem>>, %arg9: memref<4x64xf32, #tpu.memory_space<vmem>>, %arg10: memref<2112xi32, #tpu.memory_space<vmem>>, %arg11: memref<3584xi32, #tpu.memory_space<vmem>>, %arg12: memref<32768xf32, #tpu.memory_space<vmem>>, %arg13: memref<!tpu.dma_semaphore, #tpu.memory_space<semaphore_mem>>, %arg14: memref<!tpu.dma_semaphore, #tpu.memory_space<semaphore_mem>>) attributes {dimension_semantics = [#tpu.dimension_semantics<core_parallel>, #tpu.dimension_semantics<subcore_parallel>], iteration_bounds = array<i64: 2, 16>, scalar_prefetch = 0 : i64, scratch_operands = 8 : i64, tpu.core_type = #tpu.core_type<sc_vector_subcore>, window_params = [{transform_indices = #map}, {transform_indices = #map1}, {transform_indices = #map1}, {transform_indices = #map1}, {transform_indices = #map}]} {
    %mul3A = arith.constant 2 : i32
    %mul3A_0 = arith.muli %arg1, %mul3A : i32
    %add3A = arith.addi %mul3A_0, %arg0 : i32
    %mul3A_1 = arith.constant 512 : i32
    %mul3A_2 = arith.muli %add3A, %mul3A_1 : i32
    %add3A_3 = arith.constant 0 : i32
    %add3A_4 = arith.addi %add3A_3, %mul3A_2 : i32
    %dma_start3A = arith.constant 0 : i32
    %dma_start3A_5 = tpu.memref_slice %arg11[%dma_start3A] : memref<3584xi32, #tpu.memory_space<vmem>> -> memref<512xi32, #tpu.memory_space<vmem>>
    %dma_start3A_6 = tpu.memref_slice %arg2[%add3A_4] : memref<114688xi32, #tpu.memory_space<hbm>> -> memref<512xi32, #tpu.memory_space<hbm>>
    %dma_start3A_7 = arith.constant 0 : i32
    %dma_start3A_8 = tpu.memref_slice %arg11[%dma_start3A_7] : memref<3584xi32, #tpu.memory_space<vmem>> -> memref<512xi32, #tpu.memory_space<vmem>>
    %dma_start3A_9 = tpu.memref_slice %arg2[%add3A_4] : memref<114688xi32, #tpu.memory_space<hbm>> -> memref<512xi32, #tpu.memory_space<hbm>>
    tpu.enqueue_dma source(%dma_start3A_9 : memref<512xi32, #tpu.memory_space<hbm>>) target(%dma_start3A_8 : memref<512xi32, #tpu.memory_space<vmem>>) target_semaphore(%arg14 : memref<!tpu.dma_semaphore, #tpu.memory_space<semaphore_mem>>)
    %add3A_10 = arith.constant 16384 : i32
    %add3A_11 = arith.addi %add3A_10, %mul3A_2 : i32
    %dma_start3A_12 = arith.constant 512 : i32
    %dma_start3A_13 = tpu.memref_slice %arg11[%dma_start3A_12] : memref<3584xi32, #tpu.memory_space<vmem>> -> memref<512xi32, #tpu.memory_space<vmem>>
    %dma_start3A_14 = tpu.memref_slice %arg2[%add3A_11] : memref<114688xi32, #tpu.memory_space<hbm>> -> memref<512xi32, #tpu.memory_space<hbm>>
    %dma_start3A_15 = arith.constant 512 : i32
    %dma_start3A_16 = tpu.memref_slice %arg11[%dma_start3A_15] : memref<3584xi32, #tpu.memory_space<vmem>> -> memref<512xi32, #tpu.memory_space<vmem>>
    %dma_start3A_17 = tpu.memref_slice %arg2[%add3A_11] : memref<114688xi32, #tpu.memory_space<hbm>> -> memref<512xi32, #tpu.memory_space<hbm>>
    tpu.enqueue_dma source(%dma_start3A_17 : memref<512xi32, #tpu.memory_space<hbm>>) target(%dma_start3A_16 : memref<512xi32, #tpu.memory_space<vmem>>) target_semaphore(%arg14 : memref<!tpu.dma_semaphore, #tpu.memory_space<semaphore_mem>>)
    %add3A_18 = arith.constant 32768 : i32
    %add3A_19 = arith.addi %add3A_18, %mul3A_2 : i32
    %dma_start3A_20 = arith.constant 1024 : i32
    %dma_start3A_21 = tpu.memref_slice %arg11[%dma_start3A_20] : memref<3584xi32, #tpu.memory_space<vmem>> -> memref<512xi32, #tpu.memory_space<vmem>>
    %dma_start3A_22 = tpu.memref_slice %arg2[%add3A_19] : memref<114688xi32, #tpu.memory_space<hbm>> -> memref<512xi32, #tpu.memory_space<hbm>>
    %dma_start3A_23 = arith.constant 1024 : i32
    %dma_start3A_24 = tpu.memref_slice %arg11[%dma_start3A_23] : memref<3584xi32, #tpu.memory_space<vmem>> -> memref<512xi32, #tpu.memory_space<vmem>>
    %dma_start3A_25 = tpu.memref_slice %arg2[%add3A_19] : memref<114688xi32, #tpu.memory_space<hbm>> -> memref<512xi32, #tpu.memory_space<hbm>>
    tpu.enqueue_dma source(%dma_start3A_25 : memref<512xi32, #tpu.memory_space<hbm>>) target(%dma_start3A_24 : memref<512xi32, #tpu.memory_space<vmem>>) target_semaphore(%arg14 : memref<!tpu.dma_semaphore, #tpu.memory_space<semaphore_mem>>)
    %add3A_26 = arith.constant 49152 : i32
    %add3A_27 = arith.addi %add3A_26, %mul3A_2 : i32
    %dma_start3A_28 = arith.constant 1536 : i32
    %dma_start3A_29 = tpu.memref_slice %arg11[%dma_start3A_28] : memref<3584xi32, #tpu.memory_space<vmem>> -> memref<512xi32, #tpu.memory_space<vmem>>
    %dma_start3A_30 = tpu.memref_slice %arg2[%add3A_27] : memref<114688xi32, #tpu.memory_space<hbm>> -> memref<512xi32, #tpu.memory_space<hbm>>
    %dma_start3A_31 = arith.constant 1536 : i32
    %dma_start3A_32 = tpu.memref_slice %arg11[%dma_start3A_31] : memref<3584xi32, #tpu.memory_space<vmem>> -> memref<512xi32, #tpu.memory_space<vmem>>
    %dma_start3A_33 = tpu.memref_slice %arg2[%add3A_27] : memref<114688xi32, #tpu.memory_space<hbm>> -> memref<512xi32, #tpu.memory_space<hbm>>
    tpu.enqueue_dma source(%dma_start3A_33 : memref<512xi32, #tpu.memory_space<hbm>>) target(%dma_start3A_32 : memref<512xi32, #tpu.memory_space<vmem>>) target_semaphore(%arg14 : memref<!tpu.dma_semaphore, #tpu.memory_space<semaphore_mem>>)
    %add3A_34 = arith.constant 65536 : i32
    %add3A_35 = arith.addi %add3A_34, %mul3A_2 : i32
    %dma_start3A_36 = arith.constant 2048 : i32
    %dma_start3A_37 = tpu.memref_slice %arg11[%dma_start3A_36] : memref<3584xi32, #tpu.memory_space<vmem>> -> memref<512xi32, #tpu.memory_space<vmem>>
    %dma_start3A_38 = tpu.memref_slice %arg2[%add3A_35] : memref<114688xi32, #tpu.memory_space<hbm>> -> memref<512xi32, #tpu.memory_space<hbm>>
    %dma_start3A_39 = arith.constant 2048 : i32
    %dma_start3A_40 = tpu.memref_slice %arg11[%dma_start3A_39] : memref<3584xi32, #tpu.memory_space<vmem>> -> memref<512xi32, #tpu.memory_space<vmem>>
    %dma_start3A_41 = tpu.memref_slice %arg2[%add3A_35] : memref<114688xi32, #tpu.memory_space<hbm>> -> memref<512xi32, #tpu.memory_space<hbm>>
    tpu.enqueue_dma source(%dma_start3A_41 : memref<512xi32, #tpu.memory_space<hbm>>) target(%dma_start3A_40 : memref<512xi32, #tpu.memory_space<vmem>>) target_semaphore(%arg14 : memref<!tpu.dma_semaphore, #tpu.memory_space<semaphore_mem>>)
    %add3A_42 = arith.constant 81920 : i32
    %add3A_43 = arith.addi %add3A_42, %mul3A_2 : i32
    %dma_start3A_44 = arith.constant 2560 : i32
    %dma_start3A_45 = tpu.memref_slice %arg11[%dma_start3A_44] : memref<3584xi32, #tpu.memory_space<vmem>> -> memref<512xi32, #tpu.memory_space<vmem>>
    %dma_start3A_46 = tpu.memref_slice %arg2[%add3A_43] : memref<114688xi32, #tpu.memory_space<hbm>> -> memref<512xi32, #tpu.memory_space<hbm>>
    %dma_start3A_47 = arith.constant 2560 : i32
    %dma_start3A_48 = tpu.memref_slice %arg11[%dma_start3A_47] : memref<3584xi32, #tpu.memory_space<vmem>> -> memref<512xi32, #tpu.memory_space<vmem>>
    %dma_start3A_49 = tpu.memref_slice %arg2[%add3A_43] : memref<114688xi32, #tpu.memory_space<hbm>> -> memref<512xi32, #tpu.memory_space<hbm>>
    tpu.enqueue_dma source(%dma_start3A_49 : memref<512xi32, #tpu.memory_space<hbm>>) target(%dma_start3A_48 : memref<512xi32, #tpu.memory_space<vmem>>) target_semaphore(%arg14 : memref<!tpu.dma_semaphore, #tpu.memory_space<semaphore_mem>>)
    %add3A_50 = arith.constant 98304 : i32
    %add3A_51 = arith.addi %add3A_50, %mul3A_2 : i32
    %dma_start3A_52 = arith.constant 3072 : i32
    %dma_start3A_53 = tpu.memref_slice %arg11[%dma_start3A_52] : memref<3584xi32, #tpu.memory_space<vmem>> -> memref<512xi32, #tpu.memory_space<vmem>>
    %dma_start3A_54 = tpu.memref_slice %arg2[%add3A_51] : memref<114688xi32, #tpu.memory_space<hbm>> -> memref<512xi32, #tpu.memory_space<hbm>>
    %dma_start3A_55 = arith.constant 3072 : i32
    %dma_start3A_56 = tpu.memref_slice %arg11[%dma_start3A_55] : memref<3584xi32, #tpu.memory_space<vmem>> -> memref<512xi32, #tpu.memory_space<vmem>>
    %dma_start3A_57 = tpu.memref_slice %arg2[%add3A_51] : memref<114688xi32, #tpu.memory_space<hbm>> -> memref<512xi32, #tpu.memory_space<hbm>>
    tpu.enqueue_dma source(%dma_start3A_57 : memref<512xi32, #tpu.memory_space<hbm>>) target(%dma_start3A_56 : memref<512xi32, #tpu.memory_space<vmem>>) target_semaphore(%arg14 : memref<!tpu.dma_semaphore, #tpu.memory_space<semaphore_mem>>)
    tpu.enqueue_dma source(%arg3 : memref<52x64xf32, #tpu.memory_space<hbm>>) target(%arg7 : memref<52x64xf32, #tpu.memory_space<vmem>>) target_semaphore(%arg13 : memref<!tpu.dma_semaphore, #tpu.memory_space<semaphore_mem>>)
    tpu.enqueue_dma source(%arg4 : memref<13x64xf32, #tpu.memory_space<hbm>>) target(%arg8 : memref<13x64xf32, #tpu.memory_space<vmem>>) target_semaphore(%arg13 : memref<!tpu.dma_semaphore, #tpu.memory_space<semaphore_mem>>)
    tpu.enqueue_dma source(%arg5 : memref<4x64xf32, #tpu.memory_space<hbm>>) target(%arg9 : memref<4x64xf32, #tpu.memory_space<vmem>>) target_semaphore(%arg13 : memref<!tpu.dma_semaphore, #tpu.memory_space<semaphore_mem>>)
    tpu.wait_dma2 semaphore(%arg13 : memref<!tpu.dma_semaphore, #tpu.memory_space<semaphore_mem>>) src(%arg3 : memref<52x64xf32, #tpu.memory_space<hbm>>) dst(%arg7 : memref<52x64xf32, #tpu.memory_space<vmem>>)
    tpu.wait_dma2 semaphore(%arg13 : memref<!tpu.dma_semaphore, #tpu.memory_space<semaphore_mem>>) src(%arg4 : memref<13x64xf32, #tpu.memory_space<hbm>>) dst(%arg8 : memref<13x64xf32, #tpu.memory_space<vmem>>)
    tpu.wait_dma2 semaphore(%arg13 : memref<!tpu.dma_semaphore, #tpu.memory_space<semaphore_mem>>) src(%arg5 : memref<4x64xf32, #tpu.memory_space<hbm>>) dst(%arg9 : memref<4x64xf32, #tpu.memory_space<vmem>>)
    %broadcast_in_dim3A = arith.constant 0 : i32
    %broadcast_in_dim3A_58 = vector.broadcast %broadcast_in_dim3A : i32 to vector<16xi32>
    %scan3A = arith.constant 0 : i32
    %scan3A_59 = arith.constant 0 : i32
    %scan3A_60 = arith.constant 52 : i32
    %scan3A_61 = arith.addi %scan3A_59, %scan3A_60 : i32
    %scan3A_62 = arith.constant 1 : i32
    scf.for %scan3A_115 = %scan3A_59 to %scan3A_61 step %scan3A_62  : i32 {
      %jit3A = arith.constant 4 : i32
      %div3A = arith.divsi %scan3A_115, %jit3A : i32
      %sign3A = arith.constant 0 : i32
      %sign3A_116 = arith.cmpi sgt, %scan3A_115, %sign3A : i32
      %sign3A_117 = arith.extui %sign3A_116 : i1 to i32
      %sign3A_118 = arith.constant 0 : i32
      %sign3A_119 = arith.cmpi slt, %scan3A_115, %sign3A_118 : i32
      %sign3A_120 = arith.extui %sign3A_119 : i1 to i32
      %sign3A_121 = arith.subi %sign3A_117, %sign3A_120 : i32
      %sign3A_122 = arith.constant 0 : i32
      %sign3A_123 = arith.cmpi sgt, %jit3A, %sign3A_122 : i32
      %sign3A_124 = arith.extui %sign3A_123 : i1 to i32
      %sign3A_125 = arith.constant 0 : i32
      %sign3A_126 = arith.cmpi slt, %jit3A, %sign3A_125 : i32
      %sign3A_127 = arith.extui %sign3A_126 : i1 to i32
      %sign3A_128 = arith.subi %sign3A_124, %sign3A_127 : i32
      %ne3A = arith.cmpi ne, %sign3A_121, %sign3A_128 : i32
      %rem3A = arith.remsi %scan3A_115, %jit3A : i32
      %ne3A_129 = arith.constant 0 : i32
      %ne3A_130 = arith.cmpi ne, %rem3A, %ne3A_129 : i32
      %and3A = arith.andi %ne3A, %ne3A_130 : i1
      %sub3A = arith.constant 1 : i32
      %sub3A_131 = arith.subi %div3A, %sub3A : i32
      %select_n3A = arith.select %and3A, %sub3A_131, %div3A : i32
      %mul3A_132 = arith.constant 4 : i32
      %mul3A_133 = arith.muli %mul3A_132, %select_n3A : i32
      %sub3A_134 = arith.subi %scan3A_115, %mul3A_133 : i32
      %get3A = arith.index_cast %scan3A_115 : i32 to index
      %get3A_135 = arith.constant 0 : index
      %get3A_136 = tpu.vector_load %arg7[%get3A, %get3A_135] {strides = array<i32>} : memref<52x64xf32, #tpu.memory_space<vmem>>, vector<16xf32>,
      %get3A_137 = arith.index_cast %select_n3A : i32 to index
      %get3A_138 = arith.constant 0 : index
      %get3A_139 = tpu.vector_load %arg8[%get3A_137, %get3A_138] {strides = array<i32>} : memref<13x64xf32, #tpu.memory_space<vmem>>, vector<16xf32>,
      %add3A_140 = arith.addf %get3A_136, %get3A_139 : vector<16xf32>
      %get3A_141 = arith.index_cast %sub3A_134 : i32 to index
      %get3A_142 = arith.constant 0 : index
      %get3A_143 = tpu.vector_load %arg9[%get3A_141, %get3A_142] {strides = array<i32>} : memref<4x64xf32, #tpu.memory_space<vmem>>, vector<16xf32>,
      %add3A_144 = arith.addf %add3A_140, %get3A_143 : vector<16xf32>
      %get3A_145 = arith.index_cast %scan3A_115 : i32 to index
      %get3A_146 = arith.constant 16 : index
      %get3A_147 = tpu.vector_load %arg7[%get3A_145, %get3A_146] {strides = array<i32>} : memref<52x64xf32, #tpu.memory_space<vmem>>, vector<16xf32>,
      %get3A_148 = arith.index_cast %select_n3A : i32 to index
      %get3A_149 = arith.constant 16 : index
      %get3A_150 = tpu.vector_load %arg8[%get3A_148, %get3A_149] {strides = array<i32>} : memref<13x64xf32, #tpu.memory_space<vmem>>, vector<16xf32>,
      %add3A_151 = arith.addf %get3A_147, %get3A_150 : vector<16xf32>
      %get3A_152 = arith.index_cast %sub3A_134 : i32 to index
      %get3A_153 = arith.constant 16 : index
      %get3A_154 = tpu.vector_load %arg9[%get3A_152, %get3A_153] {strides = array<i32>} : memref<4x64xf32, #tpu.memory_space<vmem>>, vector<16xf32>,
      %add3A_155 = arith.addf %add3A_151, %get3A_154 : vector<16xf32>
      %pack3A = tpu.pack_subelements %add3A_144, %add3A_155 {pack_format = #tpu.pack_format<interleaved>, positions = array<i32: 0, 1>} : vector<16xf32>, vector<16xf32> -> vector<32xbf16>
      %bitcast3A = vector.bitcast %pack3A : vector<32xbf16> to vector<16xi32>
      %mul3A_156 = arith.constant 33 : i32
      %mul3A_157 = arith.muli %scan3A_115, %mul3A_156 : i32
      %add3A_158 = arith.constant 0 : i32
      %add3A_159 = arith.addi %mul3A_157, %add3A_158 : i32
      %swap3A = arith.index_cast %add3A_159 : i32 to index
      %swap3A_160 = tpu.vector_load %arg10[%swap3A] {strides = array<i32>} : memref<2112xi32, #tpu.memory_space<vmem>>, vector<16xi32>,
      tpu.vector_store %arg10[%swap3A], %bitcast3A {strides = array<i32>} : memref<2112xi32, #tpu.memory_space<vmem>>, vector<16xi32>,
      %get3A_161 = arith.index_cast %scan3A_115 : i32 to index
      %get3A_162 = arith.constant 32 : index
      %get3A_163 = tpu.vector_load %arg7[%get3A_161, %get3A_162] {strides = array<i32>} : memref<52x64xf32, #tpu.memory_space<vmem>>, vector<16xf32>,
      %get3A_164 = arith.index_cast %select_n3A : i32 to index
      %get3A_165 = arith.constant 32 : index
      %get3A_166 = tpu.vector_load %arg8[%get3A_164, %get3A_165] {strides = array<i32>} : memref<13x64xf32, #tpu.memory_space<vmem>>, vector<16xf32>,
      %add3A_167 = arith.addf %get3A_163, %get3A_166 : vector<16xf32>
      %get3A_168 = arith.index_cast %sub3A_134 : i32 to index
      %get3A_169 = arith.constant 32 : index
      %get3A_170 = tpu.vector_load %arg9[%get3A_168, %get3A_169] {strides = array<i32>} : memref<4x64xf32, #tpu.memory_space<vmem>>, vector<16xf32>,
      %add3A_171 = arith.addf %add3A_167, %get3A_170 : vector<16xf32>
      %get3A_172 = arith.index_cast %scan3A_115 : i32 to index
      %get3A_173 = arith.constant 48 : index
      %get3A_174 = tpu.vector_load %arg7[%get3A_172, %get3A_173] {strides = array<i32>} : memref<52x64xf32, #tpu.memory_space<vmem>>, vector<16xf32>,
      %get3A_175 = arith.index_cast %select_n3A : i32 to index
      %get3A_176 = arith.constant 48 : index
      %get3A_177 = tpu.vector_load %arg8[%get3A_175, %get3A_176] {strides = array<i32>} : memref<13x64xf32, #tpu.memory_space<vmem>>, vector<16xf32>,
      %add3A_178 = arith.addf %get3A_174, %get3A_177 : vector<16xf32>
      %get3A_179 = arith.index_cast %sub3A_134 : i32 to index
      %get3A_180 = arith.constant 48 : index
      %get3A_181 = tpu.vector_load %arg9[%get3A_179, %get3A_180] {strides = array<i32>} : memref<4x64xf32, #tpu.memory_space<vmem>>, vector<16xf32>,
      %add3A_182 = arith.addf %add3A_178, %get3A_181 : vector<16xf32>
      %pack3A_183 = tpu.pack_subelements %add3A_171, %add3A_182 {pack_format = #tpu.pack_format<interleaved>, positions = array<i32: 0, 1>} : vector<16xf32>, vector<16xf32> -> vector<32xbf16>
      %bitcast3A_184 = vector.bitcast %pack3A_183 : vector<32xbf16> to vector<16xi32>
      %mul3A_185 = arith.constant 33 : i32
      %mul3A_186 = arith.muli %scan3A_115, %mul3A_185 : i32
      %add3A_187 = arith.constant 16 : i32
      %add3A_188 = arith.addi %mul3A_186, %add3A_187 : i32
      %swap3A_189 = arith.index_cast %add3A_188 : i32 to index
      %swap3A_190 = tpu.vector_load %arg10[%swap3A_189] {strides = array<i32>} : memref<2112xi32, #tpu.memory_space<vmem>>, vector<16xi32>,
      tpu.vector_store %arg10[%swap3A_189], %bitcast3A_184 {strides = array<i32>} : memref<2112xi32, #tpu.memory_space<vmem>>, vector<16xi32>,
    }
    %scan3A_63 = arith.constant 52 : i32
    %scan3A_64 = arith.constant 0 : i32
    %scan3A_65 = arith.constant 52 : i32
    %scan3A_66 = arith.constant 12 : i32
    %scan3A_67 = arith.addi %scan3A_65, %scan3A_66 : i32
    %scan3A_68 = arith.constant 1 : i32
    scf.for %scan3A_115 = %scan3A_65 to %scan3A_67 step %scan3A_68  : i32 {
      %mul3A_116 = arith.constant 33 : i32
      %mul3A_117 = arith.muli %scan3A_115, %mul3A_116 : i32
      %swap3A = arith.index_cast %mul3A_117 : i32 to index
      %swap3A_118 = tpu.vector_load %arg10[%swap3A] {strides = array<i32>} : memref<2112xi32, #tpu.memory_space<vmem>>, vector<16xi32>,
      tpu.vector_store %arg10[%swap3A], %broadcast_in_dim3A_58 {strides = array<i32>} : memref<2112xi32, #tpu.memory_space<vmem>>, vector<16xi32>,
      %mul3A_119 = arith.constant 33 : i32
      %mul3A_120 = arith.muli %scan3A_115, %mul3A_119 : i32
      %add3A_121 = arith.constant 16 : i32
      %add3A_122 = arith.addi %mul3A_120, %add3A_121 : i32
      %swap3A_123 = arith.index_cast %add3A_122 : i32 to index
      %swap3A_124 = tpu.vector_load %arg10[%swap3A_123] {strides = array<i32>} : memref<2112xi32, #tpu.memory_space<vmem>>, vector<16xi32>,
      tpu.vector_store %arg10[%swap3A_123], %broadcast_in_dim3A_58 {strides = array<i32>} : memref<2112xi32, #tpu.memory_space<vmem>>, vector<16xi32>,
    }
    %scan3A_69 = arith.constant 12 : i32
    %dma_wait3A = arith.constant 0 : i32
    %dma_wait3A_70 = tpu.memref_slice %arg11[%dma_wait3A] : memref<3584xi32, #tpu.memory_space<vmem>> -> memref<512xi32, #tpu.memory_space<vmem>>
    %dma_wait3A_71 = tpu.memref_slice %arg2[%add3A_4] : memref<114688xi32, #tpu.memory_space<hbm>> -> memref<512xi32, #tpu.memory_space<hbm>>
    %dma_wait3A_72 = arith.constant 0 : i32
    %dma_wait3A_73 = tpu.memref_slice %arg11[%dma_wait3A_72] : memref<3584xi32, #tpu.memory_space<vmem>> -> memref<512xi32, #tpu.memory_space<vmem>>
    %dma_wait3A_74 = tpu.memref_slice %arg2[%add3A_4] : memref<114688xi32, #tpu.memory_space<hbm>> -> memref<512xi32, #tpu.memory_space<hbm>>
    tpu.wait_dma2 semaphore(%arg14 : memref<!tpu.dma_semaphore, #tpu.memory_space<semaphore_mem>>) src(%dma_wait3A_74 : memref<512xi32, #tpu.memory_space<hbm>>) dst(%dma_wait3A_73 : memref<512xi32, #tpu.memory_space<vmem>>)
    %dma_wait3A_75 = arith.constant 512 : i32
    %dma_wait3A_76 = tpu.memref_slice %arg11[%dma_wait3A_75] : memref<3584xi32, #tpu.memory_space<vmem>> -> memref<512xi32, #tpu.memory_space<vmem>>
    %dma_wait3A_77 = tpu.memref_slice %arg2[%add3A_11] : memref<114688xi32, #tpu.memory_space<hbm>> -> memref<512xi32, #tpu.memory_space<hbm>>
    %dma_wait3A_78 = arith.constant 512 : i32
    %dma_wait3A_79 = tpu.memref_slice %arg11[%dma_wait3A_78] : memref<3584xi32, #tpu.memory_space<vmem>> -> memref<512xi32, #tpu.memory_space<vmem>>
    %dma_wait3A_80 = tpu.memref_slice %arg2[%add3A_11] : memref<114688xi32, #tpu.memory_space<hbm>> -> memref<512xi32, #tpu.memory_space<hbm>>
    tpu.wait_dma2 semaphore(%arg14 : memref<!tpu.dma_semaphore, #tpu.memory_space<semaphore_mem>>) src(%dma_wait3A_80 : memref<512xi32, #tpu.memory_space<hbm>>) dst(%dma_wait3A_79 : memref<512xi32, #tpu.memory_space<vmem>>)
    %dma_wait3A_81 = arith.constant 1024 : i32
    %dma_wait3A_82 = tpu.memref_slice %arg11[%dma_wait3A_81] : memref<3584xi32, #tpu.memory_space<vmem>> -> memref<512xi32, #tpu.memory_space<vmem>>
    %dma_wait3A_83 = tpu.memref_slice %arg2[%add3A_19] : memref<114688xi32, #tpu.memory_space<hbm>> -> memref<512xi32, #tpu.memory_space<hbm>>
    %dma_wait3A_84 = arith.constant 1024 : i32
    %dma_wait3A_85 = tpu.memref_slice %arg11[%dma_wait3A_84] : memref<3584xi32, #tpu.memory_space<vmem>> -> memref<512xi32, #tpu.memory_space<vmem>>
    %dma_wait3A_86 = tpu.memref_slice %arg2[%add3A_19] : memref<114688xi32, #tpu.memory_space<hbm>> -> memref<512xi32, #tpu.memory_space<hbm>>
    tpu.wait_dma2 semaphore(%arg14 : memref<!tpu.dma_semaphore, #tpu.memory_space<semaphore_mem>>) src(%dma_wait3A_86 : memref<512xi32, #tpu.memory_space<hbm>>) dst(%dma_wait3A_85 : memref<512xi32, #tpu.memory_space<vmem>>)
    %dma_wait3A_87 = arith.constant 1536 : i32
    %dma_wait3A_88 = tpu.memref_slice %arg11[%dma_wait3A_87] : memref<3584xi32, #tpu.memory_space<vmem>> -> memref<512xi32, #tpu.memory_space<vmem>>
    %dma_wait3A_89 = tpu.memref_slice %arg2[%add3A_27] : memref<114688xi32, #tpu.memory_space<hbm>> -> memref<512xi32, #tpu.memory_space<hbm>>
    %dma_wait3A_90 = arith.constant 1536 : i32
    %dma_wait3A_91 = tpu.memref_slice %arg11[%dma_wait3A_90] : memref<3584xi32, #tpu.memory_space<vmem>> -> memref<512xi32, #tpu.memory_space<vmem>>
    %dma_wait3A_92 = tpu.memref_slice %arg2[%add3A_27] : memref<114688xi32, #tpu.memory_space<hbm>> -> memref<512xi32, #tpu.memory_space<hbm>>
    tpu.wait_dma2 semaphore(%arg14 : memref<!tpu.dma_semaphore, #tpu.memory_space<semaphore_mem>>) src(%dma_wait3A_92 : memref<512xi32, #tpu.memory_space<hbm>>) dst(%dma_wait3A_91 : memref<512xi32, #tpu.memory_space<vmem>>)
    %dma_wait3A_93 = arith.constant 2048 : i32
    %dma_wait3A_94 = tpu.memref_slice %arg11[%dma_wait3A_93] : memref<3584xi32, #tpu.memory_space<vmem>> -> memref<512xi32, #tpu.memory_space<vmem>>
    %dma_wait3A_95 = tpu.memref_slice %arg2[%add3A_35] : memref<114688xi32, #tpu.memory_space<hbm>> -> memref<512xi32, #tpu.memory_space<hbm>>
    %dma_wait3A_96 = arith.constant 2048 : i32
    %dma_wait3A_97 = tpu.memref_slice %arg11[%dma_wait3A_96] : memref<3584xi32, #tpu.memory_space<vmem>> -> memref<512xi32, #tpu.memory_space<vmem>>
    %dma_wait3A_98 = tpu.memref_slice %arg2[%add3A_35] : memref<114688xi32, #tpu.memory_space<hbm>> -> memref<512xi32, #tpu.memory_space<hbm>>
    tpu.wait_dma2 semaphore(%arg14 : memref<!tpu.dma_semaphore, #tpu.memory_space<semaphore_mem>>) src(%dma_wait3A_98 : memref<512xi32, #tpu.memory_space<hbm>>) dst(%dma_wait3A_97 : memref<512xi32, #tpu.memory_space<vmem>>)
    %dma_wait3A_99 = arith.constant 2560 : i32
    %dma_wait3A_100 = tpu.memref_slice %arg11[%dma_wait3A_99] : memref<3584xi32, #tpu.memory_space<vmem>> -> memref<512xi32, #tpu.memory_space<vmem>>
    %dma_wait3A_101 = tpu.memref_slice %arg2[%add3A_43] : memref<114688xi32, #tpu.memory_space<hbm>> -> memref<512xi32, #tpu.memory_space<hbm>>
    %dma_wait3A_102 = arith.constant 2560 : i32
    %dma_wait3A_103 = tpu.memref_slice %arg11[%dma_wait3A_102] : memref<3584xi32, #tpu.memory_space<vmem>> -> memref<512xi32, #tpu.memory_space<vmem>>
    %dma_wait3A_104 = tpu.memref_slice %arg2[%add3A_43] : memref<114688xi32, #tpu.memory_space<hbm>> -> memref<512xi32, #tpu.memory_space<hbm>>
    tpu.wait_dma2 semaphore(%arg14 : memref<!tpu.dma_semaphore, #tpu.memory_space<semaphore_mem>>) src(%dma_wait3A_104 : memref<512xi32, #tpu.memory_space<hbm>>) dst(%dma_wait3A_103 : memref<512xi32, #tpu.memory_space<vmem>>)
    %dma_wait3A_105 = arith.constant 3072 : i32
    %dma_wait3A_106 = tpu.memref_slice %arg11[%dma_wait3A_105] : memref<3584xi32, #tpu.memory_space<vmem>> -> memref<512xi32, #tpu.memory_space<vmem>>
    %dma_wait3A_107 = tpu.memref_slice %arg2[%add3A_51] : memref<114688xi32, #tpu.memory_space<hbm>> -> memref<512xi32, #tpu.memory_space<hbm>>
    %dma_wait3A_108 = arith.constant 3072 : i32
    %dma_wait3A_109 = tpu.memref_slice %arg11[%dma_wait3A_108] : memref<3584xi32, #tpu.memory_space<vmem>> -> memref<512xi32, #tpu.memory_space<vmem>>
    %dma_wait3A_110 = tpu.memref_slice %arg2[%add3A_51] : memref<114688xi32, #tpu.memory_space<hbm>> -> memref<512xi32, #tpu.memory_space<hbm>>
    tpu.wait_dma2 semaphore(%arg14 : memref<!tpu.dma_semaphore, #tpu.memory_space<semaphore_mem>>) src(%dma_wait3A_110 : memref<512xi32, #tpu.memory_space<hbm>>) dst(%dma_wait3A_109 : memref<512xi32, #tpu.memory_space<vmem>>)
    %parallel_loop3A = arith.constant 0 : i32
    %parallel_loop3A_111 = arith.constant 512 : i32
    %parallel_loop3A_112 = arith.constant 16 : i32
    scf.for %parallel_loop3A_115 = %parallel_loop3A to %parallel_loop3A_111 step %parallel_loop3A_112  : i32 {
      %parallel_loop3A_116 = arith.constant 0 : i32
      %parallel_loop3A_117 = arith.addi %parallel_loop3A_116, %parallel_loop3A_115 : i32
      %parallel_loop3A_118 = arith.index_cast %parallel_loop3A_117 : i32 to index
      %parallel_loop3A_119 = tpu.vector_load %arg11[%parallel_loop3A_118] {strides = array<i32>} : memref<3584xi32, #tpu.memory_space<vmem>>, vector<16xi32>,
      %parallel_loop3A_120 = arith.constant 0 : i32
      %parallel_loop3A_121 = vector.broadcast %parallel_loop3A_120 : i32 to vector<16xi32>
      %parallel_loop3A_122 = arith.cmpi sge, %parallel_loop3A_119, %parallel_loop3A_121 : vector<16xi32>
      %parallel_loop3A_123 = arith.constant 63 : i32
      %parallel_loop3A_124 = vector.broadcast %parallel_loop3A_123 : i32 to vector<16xi32>
      %parallel_loop3A_125 = arith.select %parallel_loop3A_122, %parallel_loop3A_119, %parallel_loop3A_124 : vector<16xi1>, vector<16xi32>
      %parallel_loop3A_126 = arith.constant 33 : i32
      %parallel_loop3A_127 = vector.broadcast %parallel_loop3A_126 : i32 to vector<16xi32>
      %parallel_loop3A_128 = arith.muli %parallel_loop3A_125, %parallel_loop3A_127 : vector<16xi32>
      %parallel_loop3A_129 = arith.constant 512 : i32
      %parallel_loop3A_130 = arith.addi %parallel_loop3A_129, %parallel_loop3A_115 : i32
      %parallel_loop3A_131 = arith.index_cast %parallel_loop3A_130 : i32 to index
      %parallel_loop3A_132 = tpu.vector_load %arg11[%parallel_loop3A_131] {strides = array<i32>} : memref<3584xi32, #tpu.memory_space<vmem>>, vector<16xi32>,
      %parallel_loop3A_133 = arith.constant 0 : i32
      %parallel_loop3A_134 = vector.broadcast %parallel_loop3A_133 : i32 to vector<16xi32>
      %parallel_loop3A_135 = arith.cmpi sge, %parallel_loop3A_132, %parallel_loop3A_134 : vector<16xi32>
      %parallel_loop3A_136 = arith.constant 63 : i32
      %parallel_loop3A_137 = vector.broadcast %parallel_loop3A_136 : i32 to vector<16xi32>
      %parallel_loop3A_138 = arith.select %parallel_loop3A_135, %parallel_loop3A_132, %parallel_loop3A_137 : vector<16xi1>, vector<16xi32>
      %parallel_loop3A_139 = arith.constant 33 : i32
      %parallel_loop3A_140 = vector.broadcast %parallel_loop3A_139 : i32 to vector<16xi32>
      %parallel_loop3A_141 = arith.muli %parallel_loop3A_138, %parallel_loop3A_140 : vector<16xi32>
      %parallel_loop3A_142 = arith.constant 1024 : i32
      %parallel_loop3A_143 = arith.addi %parallel_loop3A_142, %parallel_loop3A_115 : i32
      %parallel_loop3A_144 = arith.index_cast %parallel_loop3A_143 : i32 to index
      %parallel_loop3A_145 = tpu.vector_load %arg11[%parallel_loop3A_144] {strides = array<i32>} : memref<3584xi32, #tpu.memory_space<vmem>>, vector<16xi32>,
      %parallel_loop3A_146 = arith.constant 0 : i32
      %parallel_loop3A_147 = vector.broadcast %parallel_loop3A_146 : i32 to vector<16xi32>
      %parallel_loop3A_148 = arith.cmpi sge, %parallel_loop3A_145, %parallel_loop3A_147 : vector<16xi32>
      %parallel_loop3A_149 = arith.constant 63 : i32
      %parallel_loop3A_150 = vector.broadcast %parallel_loop3A_149 : i32 to vector<16xi32>
      %parallel_loop3A_151 = arith.select %parallel_loop3A_148, %parallel_loop3A_145, %parallel_loop3A_150 : vector<16xi1>, vector<16xi32>
      %parallel_loop3A_152 = arith.constant 33 : i32
      %parallel_loop3A_153 = vector.broadcast %parallel_loop3A_152 : i32 to vector<16xi32>
      %parallel_loop3A_154 = arith.muli %parallel_loop3A_151, %parallel_loop3A_153 : vector<16xi32>
      %parallel_loop3A_155 = arith.constant 1536 : i32
      %parallel_loop3A_156 = arith.addi %parallel_loop3A_155, %parallel_loop3A_115 : i32
      %parallel_loop3A_157 = arith.index_cast %parallel_loop3A_156 : i32 to index
      %parallel_loop3A_158 = tpu.vector_load %arg11[%parallel_loop3A_157] {strides = array<i32>} : memref<3584xi32, #tpu.memory_space<vmem>>, vector<16xi32>,
      %parallel_loop3A_159 = arith.constant 0 : i32
      %parallel_loop3A_160 = vector.broadcast %parallel_loop3A_159 : i32 to vector<16xi32>
      %parallel_loop3A_161 = arith.cmpi sge, %parallel_loop3A_158, %parallel_loop3A_160 : vector<16xi32>
      %parallel_loop3A_162 = arith.constant 63 : i32
      %parallel_loop3A_163 = vector.broadcast %parallel_loop3A_162 : i32 to vector<16xi32>
      %parallel_loop3A_164 = arith.select %parallel_loop3A_161, %parallel_loop3A_158, %parallel_loop3A_163 : vector<16xi1>, vector<16xi32>
      %parallel_loop3A_165 = arith.constant 33 : i32
      %parallel_loop3A_166 = vector.broadcast %parallel_loop3A_165 : i32 to vector<16xi32>
      %parallel_loop3A_167 = arith.muli %parallel_loop3A_164, %parallel_loop3A_166 : vector<16xi32>
      %parallel_loop3A_168 = arith.constant 2048 : i32
      %parallel_loop3A_169 = arith.addi %parallel_loop3A_168, %parallel_loop3A_115 : i32
      %parallel_loop3A_170 = arith.index_cast %parallel_loop3A_169 : i32 to index
      %parallel_loop3A_171 = tpu.vector_load %arg11[%parallel_loop3A_170] {strides = array<i32>} : memref<3584xi32, #tpu.memory_space<vmem>>, vector<16xi32>,
      %parallel_loop3A_172 = arith.constant 0 : i32
      %parallel_loop3A_173 = vector.broadcast %parallel_loop3A_172 : i32 to vector<16xi32>
      %parallel_loop3A_174 = arith.cmpi sge, %parallel_loop3A_171, %parallel_loop3A_173 : vector<16xi32>
      %parallel_loop3A_175 = arith.constant 63 : i32
      %parallel_loop3A_176 = vector.broadcast %parallel_loop3A_175 : i32 to vector<16xi32>
      %parallel_loop3A_177 = arith.select %parallel_loop3A_174, %parallel_loop3A_171, %parallel_loop3A_176 : vector<16xi1>, vector<16xi32>
      %parallel_loop3A_178 = arith.constant 33 : i32
      %parallel_loop3A_179 = vector.broadcast %parallel_loop3A_178 : i32 to vector<16xi32>
      %parallel_loop3A_180 = arith.muli %parallel_loop3A_177, %parallel_loop3A_179 : vector<16xi32>
      %parallel_loop3A_181 = arith.constant 2560 : i32
      %parallel_loop3A_182 = arith.addi %parallel_loop3A_181, %parallel_loop3A_115 : i32
      %parallel_loop3A_183 = arith.index_cast %parallel_loop3A_182 : i32 to index
      %parallel_loop3A_184 = tpu.vector_load %arg11[%parallel_loop3A_183] {strides = array<i32>} : memref<3584xi32, #tpu.memory_space<vmem>>, vector<16xi32>,
      %parallel_loop3A_185 = arith.constant 0 : i32
      %parallel_loop3A_186 = vector.broadcast %parallel_loop3A_185 : i32 to vector<16xi32>
      %parallel_loop3A_187 = arith.cmpi sge, %parallel_loop3A_184, %parallel_loop3A_186 : vector<16xi32>
      %parallel_loop3A_188 = arith.constant 63 : i32
      %parallel_loop3A_189 = vector.broadcast %parallel_loop3A_188 : i32 to vector<16xi32>
      %parallel_loop3A_190 = arith.select %parallel_loop3A_187, %parallel_loop3A_184, %parallel_loop3A_189 : vector<16xi1>, vector<16xi32>
      %parallel_loop3A_191 = arith.constant 33 : i32
      %parallel_loop3A_192 = vector.broadcast %parallel_loop3A_191 : i32 to vector<16xi32>
      %parallel_loop3A_193 = arith.muli %parallel_loop3A_190, %parallel_loop3A_192 : vector<16xi32>
      %parallel_loop3A_194 = arith.constant 3072 : i32
      %parallel_loop3A_195 = arith.addi %parallel_loop3A_194, %parallel_loop3A_115 : i32
      %parallel_loop3A_196 = arith.index_cast %parallel_loop3A_195 : i32 to index
      %parallel_loop3A_197 = tpu.vector_load %arg11[%parallel_loop3A_196] {strides = array<i32>} : memref<3584xi32, #tpu.memory_space<vmem>>, vector<16xi32>,
      %parallel_loop3A_198 = arith.constant 0 : i32
      %parallel_loop3A_199 = vector.broadcast %parallel_loop3A_198 : i32 to vector<16xi32>
      %parallel_loop3A_200 = arith.cmpi sge, %parallel_loop3A_197, %parallel_loop3A_199 : vector<16xi32>
      %parallel_loop3A_201 = arith.constant 63 : i32
      %parallel_loop3A_202 = vector.broadcast %parallel_loop3A_201 : i32 to vector<16xi32>
      %parallel_loop3A_203 = arith.select %parallel_loop3A_200, %parallel_loop3A_197, %parallel_loop3A_202 : vector<16xi1>, vector<16xi32>
      %parallel_loop3A_204 = arith.constant 33 : i32
      %parallel_loop3A_205 = vector.broadcast %parallel_loop3A_204 : i32 to vector<16xi32>
      %parallel_loop3A_206 = arith.muli %parallel_loop3A_203, %parallel_loop3A_205 : vector<16xi32>
      %parallel_loop3A_207 = arith.constant 0 : i32
      %parallel_loop3A_208 = arith.constant 16 : i32
      %parallel_loop3A_209 = arith.constant 1 : i32
      scf.for %parallel_loop3A_213 = %parallel_loop3A_207 to %parallel_loop3A_208 step %parallel_loop3A_209  : i32 {
        %parallel_loop3A_214 = arith.constant 0 : i32
        %parallel_loop3A_215 = arith.addi %parallel_loop3A_214, %parallel_loop3A_213 : i32
        %parallel_loop3A_216 = vector.broadcast %parallel_loop3A_215 : i32 to vector<16xi32>
        %parallel_loop3A_217 = arith.addi %parallel_loop3A_128, %parallel_loop3A_216 : vector<16xi32>
        %parallel_loop3A_218 = tpu.vector_load_idx %arg10[%parallel_loop3A_217] : memref<2112xi32, #tpu.memory_space<vmem>>[vector<16xi32>], vector<16xi32>,
        %parallel_loop3A_219 = vector.bitcast %parallel_loop3A_218 : vector<16xi32> to vector<32xbf16>
        %parallel_loop3A_220 = arith.constant 0 : i32
        %parallel_loop3A_221 = arith.addi %parallel_loop3A_220, %parallel_loop3A_213 : i32
        %parallel_loop3A_222 = vector.broadcast %parallel_loop3A_221 : i32 to vector<16xi32>
        %parallel_loop3A_223 = arith.addi %parallel_loop3A_141, %parallel_loop3A_222 : vector<16xi32>
        %parallel_loop3A_224 = tpu.vector_load_idx %arg10[%parallel_loop3A_223] : memref<2112xi32, #tpu.memory_space<vmem>>[vector<16xi32>], vector<16xi32>,
        %parallel_loop3A_225 = vector.bitcast %parallel_loop3A_224 : vector<16xi32> to vector<32xbf16>
        %parallel_loop3A_226 = arith.addf %parallel_loop3A_219, %parallel_loop3A_225 : vector<32xbf16>
        %parallel_loop3A_227 = arith.constant 0 : i32
        %parallel_loop3A_228 = arith.addi %parallel_loop3A_227, %parallel_loop3A_213 : i32
        %parallel_loop3A_229 = vector.broadcast %parallel_loop3A_228 : i32 to vector<16xi32>
        %parallel_loop3A_230 = arith.addi %parallel_loop3A_154, %parallel_loop3A_229 : vector<16xi32>
        %parallel_loop3A_231 = tpu.vector_load_idx %arg10[%parallel_loop3A_230] : memref<2112xi32, #tpu.memory_space<vmem>>[vector<16xi32>], vector<16xi32>,
        %parallel_loop3A_232 = vector.bitcast %parallel_loop3A_231 : vector<16xi32> to vector<32xbf16>
        %parallel_loop3A_233 = arith.addf %parallel_loop3A_226, %parallel_loop3A_232 : vector<32xbf16>
        %parallel_loop3A_234 = arith.constant 0 : i32
        %parallel_loop3A_235 = arith.addi %parallel_loop3A_234, %parallel_loop3A_213 : i32
        %parallel_loop3A_236 = vector.broadcast %parallel_loop3A_235 : i32 to vector<16xi32>
        %parallel_loop3A_237 = arith.addi %parallel_loop3A_167, %parallel_loop3A_236 : vector<16xi32>
        %parallel_loop3A_238 = tpu.vector_load_idx %arg10[%parallel_loop3A_237] : memref<2112xi32, #tpu.memory_space<vmem>>[vector<16xi32>], vector<16xi32>,
        %parallel_loop3A_239 = vector.bitcast %parallel_loop3A_238 : vector<16xi32> to vector<32xbf16>
        %parallel_loop3A_240 = arith.addf %parallel_loop3A_233, %parallel_loop3A_239 : vector<32xbf16>
        %parallel_loop3A_241 = arith.constant 0 : i32
        %parallel_loop3A_242 = arith.addi %parallel_loop3A_241, %parallel_loop3A_213 : i32
        %parallel_loop3A_243 = vector.broadcast %parallel_loop3A_242 : i32 to vector<16xi32>
        %parallel_loop3A_244 = arith.addi %parallel_loop3A_180, %parallel_loop3A_243 : vector<16xi32>
        %parallel_loop3A_245 = tpu.vector_load_idx %arg10[%parallel_loop3A_244] : memref<2112xi32, #tpu.memory_space<vmem>>[vector<16xi32>], vector<16xi32>,
        %parallel_loop3A_246 = vector.bitcast %parallel_loop3A_245 : vector<16xi32> to vector<32xbf16>
        %parallel_loop3A_247 = arith.addf %parallel_loop3A_240, %parallel_loop3A_246 : vector<32xbf16>
        %parallel_loop3A_248 = arith.constant 0 : i32
        %parallel_loop3A_249 = arith.addi %parallel_loop3A_248, %parallel_loop3A_213 : i32
        %parallel_loop3A_250 = vector.broadcast %parallel_loop3A_249 : i32 to vector<16xi32>
        %parallel_loop3A_251 = arith.addi %parallel_loop3A_193, %parallel_loop3A_250 : vector<16xi32>
        %parallel_loop3A_252 = tpu.vector_load_idx %arg10[%parallel_loop3A_251] : memref<2112xi32, #tpu.memory_space<vmem>>[vector<16xi32>], vector<16xi32>,
        %parallel_loop3A_253 = vector.bitcast %parallel_loop3A_252 : vector<16xi32> to vector<32xbf16>
        %parallel_loop3A_254 = arith.addf %parallel_loop3A_247, %parallel_loop3A_253 : vector<32xbf16>
        %parallel_loop3A_255 = arith.constant 0 : i32
        %parallel_loop3A_256 = arith.addi %parallel_loop3A_255, %parallel_loop3A_213 : i32
        %parallel_loop3A_257 = vector.broadcast %parallel_loop3A_256 : i32 to vector<16xi32>
        %parallel_loop3A_258 = arith.addi %parallel_loop3A_206, %parallel_loop3A_257 : vector<16xi32>
        %parallel_loop3A_259 = tpu.vector_load_idx %arg10[%parallel_loop3A_258] : memref<2112xi32, #tpu.memory_space<vmem>>[vector<16xi32>], vector<16xi32>,
        %parallel_loop3A_260 = vector.bitcast %parallel_loop3A_259 : vector<16xi32> to vector<32xbf16>
        %parallel_loop3A_261 = arith.addf %parallel_loop3A_254, %parallel_loop3A_260 : vector<32xbf16>
        %parallel_loop3A_262 = tpu.unpack_subelements %parallel_loop3A_261, 0 {pack_format = #tpu.pack_format<interleaved>} : vector<32xbf16> -> vector<16xf32>
        %parallel_loop3A_263 = tpu.unpack_subelements %parallel_loop3A_261, 1 {pack_format = #tpu.pack_format<interleaved>} : vector<32xbf16> -> vector<16xf32>
        %parallel_loop3A_264 = arith.constant 0 : i32
        %parallel_loop3A_265 = arith.addi %parallel_loop3A_264, %parallel_loop3A_213 : i32
        %parallel_loop3A_266 = arith.constant 512 : i32
        %parallel_loop3A_267 = arith.muli %parallel_loop3A_265, %parallel_loop3A_266 : i32
        %parallel_loop3A_268 = arith.addi %parallel_loop3A_267, %parallel_loop3A_115 : i32
        %parallel_loop3A_269 = arith.index_cast %parallel_loop3A_268 : i32 to index
        %parallel_loop3A_270 = tpu.vector_load %arg12[%parallel_loop3A_269] {strides = array<i32>} : memref<32768xf32, #tpu.memory_space<vmem>>, vector<16xf32>,
        tpu.vector_store %arg12[%parallel_loop3A_269], %parallel_loop3A_262 {strides = array<i32>} : memref<32768xf32, #tpu.memory_space<vmem>>, vector<16xf32>,
        %parallel_loop3A_271 = arith.constant 0 : i32
        %parallel_loop3A_272 = arith.addi %parallel_loop3A_271, %parallel_loop3A_213 : i32
        %parallel_loop3A_273 = arith.constant 16 : i32
        %parallel_loop3A_274 = arith.addi %parallel_loop3A_272, %parallel_loop3A_273 : i32
        %parallel_loop3A_275 = arith.constant 512 : i32
        %parallel_loop3A_276 = arith.muli %parallel_loop3A_274, %parallel_loop3A_275 : i32
        %parallel_loop3A_277 = arith.addi %parallel_loop3A_276, %parallel_loop3A_115 : i32
        %parallel_loop3A_278 = arith.index_cast %parallel_loop3A_277 : i32 to index
        %parallel_loop3A_279 = tpu.vector_load %arg12[%parallel_loop3A_278] {strides = array<i32>} : memref<32768xf32, #tpu.memory_space<vmem>>, vector<16xf32>,
        tpu.vector_store %arg12[%parallel_loop3A_278], %parallel_loop3A_263 {strides = array<i32>} : memref<32768xf32, #tpu.memory_space<vmem>>, vector<16xf32>,
      } {sc.loop_unroll_factor = 2 : i64, sc.parallel_access}
      %parallel_loop3A_210 = arith.constant 0 : i32
      %parallel_loop3A_211 = arith.constant 16 : i32
      %parallel_loop3A_212 = arith.constant 1 : i32
      scf.for %parallel_loop3A_213 = %parallel_loop3A_210 to %parallel_loop3A_211 step %parallel_loop3A_212  : i32 {
        %parallel_loop3A_214 = arith.constant 16 : i32
        %parallel_loop3A_215 = arith.addi %parallel_loop3A_214, %parallel_loop3A_213 : i32
        %parallel_loop3A_216 = vector.broadcast %parallel_loop3A_215 : i32 to vector<16xi32>
        %parallel_loop3A_217 = arith.addi %parallel_loop3A_128, %parallel_loop3A_216 : vector<16xi32>
        %parallel_loop3A_218 = tpu.vector_load_idx %arg10[%parallel_loop3A_217] : memref<2112xi32, #tpu.memory_space<vmem>>[vector<16xi32>], vector<16xi32>,
        %parallel_loop3A_219 = vector.bitcast %parallel_loop3A_218 : vector<16xi32> to vector<32xbf16>
        %parallel_loop3A_220 = arith.constant 16 : i32
        %parallel_loop3A_221 = arith.addi %parallel_loop3A_220, %parallel_loop3A_213 : i32
        %parallel_loop3A_222 = vector.broadcast %parallel_loop3A_221 : i32 to vector<16xi32>
        %parallel_loop3A_223 = arith.addi %parallel_loop3A_141, %parallel_loop3A_222 : vector<16xi32>
        %parallel_loop3A_224 = tpu.vector_load_idx %arg10[%parallel_loop3A_223] : memref<2112xi32, #tpu.memory_space<vmem>>[vector<16xi32>], vector<16xi32>,
        %parallel_loop3A_225 = vector.bitcast %parallel_loop3A_224 : vector<16xi32> to vector<32xbf16>
        %parallel_loop3A_226 = arith.addf %parallel_loop3A_219, %parallel_loop3A_225 : vector<32xbf16>
        %parallel_loop3A_227 = arith.constant 16 : i32
        %parallel_loop3A_228 = arith.addi %parallel_loop3A_227, %parallel_loop3A_213 : i32
        %parallel_loop3A_229 = vector.broadcast %parallel_loop3A_228 : i32 to vector<16xi32>
        %parallel_loop3A_230 = arith.addi %parallel_loop3A_154, %parallel_loop3A_229 : vector<16xi32>
        %parallel_loop3A_231 = tpu.vector_load_idx %arg10[%parallel_loop3A_230] : memref<2112xi32, #tpu.memory_space<vmem>>[vector<16xi32>], vector<16xi32>,
        %parallel_loop3A_232 = vector.bitcast %parallel_loop3A_231 : vector<16xi32> to vector<32xbf16>
        %parallel_loop3A_233 = arith.addf %parallel_loop3A_226, %parallel_loop3A_232 : vector<32xbf16>
        %parallel_loop3A_234 = arith.constant 16 : i32
        %parallel_loop3A_235 = arith.addi %parallel_loop3A_234, %parallel_loop3A_213 : i32
        %parallel_loop3A_236 = vector.broadcast %parallel_loop3A_235 : i32 to vector<16xi32>
        %parallel_loop3A_237 = arith.addi %parallel_loop3A_167, %parallel_loop3A_236 : vector<16xi32>
        %parallel_loop3A_238 = tpu.vector_load_idx %arg10[%parallel_loop3A_237] : memref<2112xi32, #tpu.memory_space<vmem>>[vector<16xi32>], vector<16xi32>,
        %parallel_loop3A_239 = vector.bitcast %parallel_loop3A_238 : vector<16xi32> to vector<32xbf16>
        %parallel_loop3A_240 = arith.addf %parallel_loop3A_233, %parallel_loop3A_239 : vector<32xbf16>
        %parallel_loop3A_241 = arith.constant 16 : i32
        %parallel_loop3A_242 = arith.addi %parallel_loop3A_241, %parallel_loop3A_213 : i32
        %parallel_loop3A_243 = vector.broadcast %parallel_loop3A_242 : i32 to vector<16xi32>
        %parallel_loop3A_244 = arith.addi %parallel_loop3A_180, %parallel_loop3A_243 : vector<16xi32>
        %parallel_loop3A_245 = tpu.vector_load_idx %arg10[%parallel_loop3A_244] : memref<2112xi32, #tpu.memory_space<vmem>>[vector<16xi32>], vector<16xi32>,
        %parallel_loop3A_246 = vector.bitcast %parallel_loop3A_245 : vector<16xi32> to vector<32xbf16>
        %parallel_loop3A_247 = arith.addf %parallel_loop3A_240, %parallel_loop3A_246 : vector<32xbf16>
        %parallel_loop3A_248 = arith.constant 16 : i32
        %parallel_loop3A_249 = arith.addi %parallel_loop3A_248, %parallel_loop3A_213 : i32
        %parallel_loop3A_250 = vector.broadcast %parallel_loop3A_249 : i32 to vector<16xi32>
        %parallel_loop3A_251 = arith.addi %parallel_loop3A_193, %parallel_loop3A_250 : vector<16xi32>
        %parallel_loop3A_252 = tpu.vector_load_idx %arg10[%parallel_loop3A_251] : memref<2112xi32, #tpu.memory_space<vmem>>[vector<16xi32>], vector<16xi32>,
        %parallel_loop3A_253 = vector.bitcast %parallel_loop3A_252 : vector<16xi32> to vector<32xbf16>
        %parallel_loop3A_254 = arith.addf %parallel_loop3A_247, %parallel_loop3A_253 : vector<32xbf16>
        %parallel_loop3A_255 = arith.constant 16 : i32
        %parallel_loop3A_256 = arith.addi %parallel_loop3A_255, %parallel_loop3A_213 : i32
        %parallel_loop3A_257 = vector.broadcast %parallel_loop3A_256 : i32 to vector<16xi32>
        %parallel_loop3A_258 = arith.addi %parallel_loop3A_206, %parallel_loop3A_257 : vector<16xi32>
        %parallel_loop3A_259 = tpu.vector_load_idx %arg10[%parallel_loop3A_258] : memref<2112xi32, #tpu.memory_space<vmem>>[vector<16xi32>], vector<16xi32>,
        %parallel_loop3A_260 = vector.bitcast %parallel_loop3A_259 : vector<16xi32> to vector<32xbf16>
        %parallel_loop3A_261 = arith.addf %parallel_loop3A_254, %parallel_loop3A_260 : vector<32xbf16>
        %parallel_loop3A_262 = tpu.unpack_subelements %parallel_loop3A_261, 0 {pack_format = #tpu.pack_format<interleaved>} : vector<32xbf16> -> vector<16xf32>
        %parallel_loop3A_263 = tpu.unpack_subelements %parallel_loop3A_261, 1 {pack_format = #tpu.pack_format<interleaved>} : vector<32xbf16> -> vector<16xf32>
        %parallel_loop3A_264 = arith.constant 32 : i32
        %parallel_loop3A_265 = arith.addi %parallel_loop3A_264, %parallel_loop3A_213 : i32
        %parallel_loop3A_266 = arith.constant 512 : i32
        %parallel_loop3A_267 = arith.muli %parallel_loop3A_265, %parallel_loop3A_266 : i32
        %parallel_loop3A_268 = arith.addi %parallel_loop3A_267, %parallel_loop3A_115 : i32
        %parallel_loop3A_269 = arith.index_cast %parallel_loop3A_268 : i32 to index
        %parallel_loop3A_270 = tpu.vector_load %arg12[%parallel_loop3A_269] {strides = array<i32>} : memref<32768xf32, #tpu.memory_space<vmem>>, vector<16xf32>,
        tpu.vector_store %arg12[%parallel_loop3A_269], %parallel_loop3A_262 {strides = array<i32>} : memref<32768xf32, #tpu.memory_space<vmem>>, vector<16xf32>,
        %parallel_loop3A_271 = arith.constant 32 : i32
        %parallel_loop3A_272 = arith.addi %parallel_loop3A_271, %parallel_loop3A_213 : i32
        %parallel_loop3A_273 = arith.constant 16 : i32
        %parallel_loop3A_274 = arith.addi %parallel_loop3A_272, %parallel_loop3A_273 : i32
        %parallel_loop3A_275 = arith.constant 512 : i32
        %parallel_loop3A_276 = arith.muli %parallel_loop3A_274, %parallel_loop3A_275 : i32
        %parallel_loop3A_277 = arith.addi %parallel_loop3A_276, %parallel_loop3A_115 : i32
        %parallel_loop3A_278 = arith.index_cast %parallel_loop3A_277 : i32 to index
        %parallel_loop3A_279 = tpu.vector_load %arg12[%parallel_loop3A_278] {strides = array<i32>} : memref<32768xf32, #tpu.memory_space<vmem>>, vector<16xf32>,
        tpu.vector_store %arg12[%parallel_loop3A_278], %parallel_loop3A_263 {strides = array<i32>} : memref<32768xf32, #tpu.memory_space<vmem>>, vector<16xf32>,
      } {sc.loop_unroll_factor = 2 : i64, sc.parallel_access}
    } {sc.loop_unroll_factor = 1 : i64, sc.parallel_access}
    %mul3A_113 = arith.constant 32768 : i32
    %mul3A_114 = arith.muli %add3A, %mul3A_113 : i32
    "tpu.region"() ({
      %run_scoped3A = tpu.sem_alloc : memref<!tpu.dma_semaphore, #tpu.memory_space<semaphore_mem>>
      %dma_start3A_115 = tpu.memref_slice %arg6[%mul3A_114] : memref<1048576xf32, #tpu.memory_space<hbm>> -> memref<32768xf32, #tpu.memory_space<hbm>>
      %dma_start3A_116 = tpu.memref_slice %arg6[%mul3A_114] : memref<1048576xf32, #tpu.memory_space<hbm>> -> memref<32768xf32, #tpu.memory_space<hbm>>
      tpu.enqueue_dma source(%arg12 : memref<32768xf32, #tpu.memory_space<vmem>>) target(%dma_start3A_116 : memref<32768xf32, #tpu.memory_space<hbm>>) target_semaphore(%run_scoped3A : memref<!tpu.dma_semaphore, #tpu.memory_space<semaphore_mem>>)
      %dma_wait3A_117 = tpu.memref_slice %arg6[%mul3A_114] : memref<1048576xf32, #tpu.memory_space<hbm>> -> memref<32768xf32, #tpu.memory_space<hbm>>
      %dma_wait3A_118 = tpu.memref_slice %arg6[%mul3A_114] : memref<1048576xf32, #tpu.memory_space<hbm>> -> memref<32768xf32, #tpu.memory_space<hbm>>
      tpu.wait_dma2 semaphore(%run_scoped3A : memref<!tpu.dma_semaphore, #tpu.memory_space<semaphore_mem>>) src(%arg12 : memref<32768xf32, #tpu.memory_space<vmem>>) dst(%dma_wait3A_118 : memref<32768xf32, #tpu.memory_space<hbm>>)
      tpu.yield
    }) : () -> ()
    return
  }
}

</mosaic_0001>

<sc_bundles>
// kernel: _run.3.cloned.1.call-start
scs
__scs_entry_jumppad:
0x0: {  	(pc) =	sbr.rel $0x88, $3  }
0x1: {  	(tag) =	ssettag $0x0;
	lr =	simm.s32 $0x1  }
0x2: {  	[smem:$0x3F9D] =	sst lr;
	_ =	strace $0xD0000000  }
0x3: {  	_ = 	snop  }
0x4: {  	_ = 	snop  }
0x5: {  	_ = 	snop  }
0x6: {  	_ = 	snop  }
0x7: {  	_ = 	snop  }
__scs_overlays_trampoline_lowered:
0x8: {  	[smem:$0x3FAC] =	sst s0  }
0x9: {  	[smem:$0x3FAD] =	sst s1  }
0xa: {  	[smem:$0x3FAE] =	sst s2  }
0xb: {  	[smem:$0x3FAF] =	sst s3  }
0xc: {  	[smem:$0x3FB0] =	sst s4  }
0xd: {  	[smem:$0x3FB1] =	sst s5  }
0xe: {  	[smem:$0x3FB2] =	sst s6  }
0xf: {  	[smem:$0x3FB3] =	sst s7  }
0x10: {  	[smem:$0x3FB4] =	sst s8  }
0x11: {  	[smem:$0x3FB5] =	sst s9;
	s0 =	simm.s32 @!p0 $0x0  }
0x12: {  	s1 =	sld [smem:$0x3F9B];
	s0 =	simm.s32 @p0 $0x1  }
0x13: {  	[smem:$0x3FB6] =	sst s0;
	s0 =	simm.s32 @!p1 $0x0  }
0x14: {  	s2 =	sld [smem:$0x3F9A];
	s0 =	simm.s32 @p1 $0x1  }
0x15: {  	[smem:$0x3FB7] =	sst s0;
	s0 =	simm.s32 @!p2 $0x0  }
0x16: {  	s3 =	sld [smem:$0x3FDB];
	s0 =	simm.s32 @p2 $0x1  }
0x17: {  	s4 =	simm.s32 $0x1BF5;
	[smem:$0x3FB9] =	sst s0  }
0x18: {  	s0 =	sld [smem:$0x3F9C];
	_ =	swait.ge [sflag:s4], $0x0  }
0x19: {  	s7 =	sld [smem:$0x3F9D]  }
0x1a: {  	s8 =	sadd.s32 $0xFFFFE003, lr  }
0x1b: {  	s9 =	sadd.s32 $0xFFFFFEF7, lr;
	s5 =	simm.s32 $0xFFFFFFFF;
	p2 =	slt.u32 s8, $0xFFFFF086  }
0x1c: {  	p1 =	slt.u32 s9, $0xF7A;
	s5 =	simm.s32 @!p2 $0x0  }
0x1d: {  	s5 =	simm.s32 @p1 $0x1;
	p0 =	seq.s32 s7, s2  }
0x1e: {  	s7 =	smul.u32 @!p0 $0xF7A, s2;
	p2 =	seq.s32 @!p0 s5, $0x0  }
0x1f: {  	s9 =	smul.u32 $0xF7A, s1;
	s8 =	simm.s32 @!p0 $0x1BF5;
	p2 =	por !p2, p0  }
0x20: {  	[sflag:s8] =	ssyncset.s32 @!p0 $0xFFFFF086;
	s6 =	sadd.s32 @!p0 s3, s7;
	s7 =	simm.s32 @!p0 $0x108  }
0x21: {  	s3 =	sadd.s32 s3, s9;
	s6 =	sadd.s32 @!p0 $0x88, s6;
	s7 =	simm.s32 @p2 $0x1082  }
0x22: {  	[simem:s7], [sflag:s8] =	dma.local @!p0 [hbm:s6], $0xF7A  }
0x23: {  	s9 =	sor.u32 $0xD0000000, s2;
	s6 =	simm.s32 $0x108;
	_ =	swait.ge @!p0 [sflag:s8], $0x0  }
0x24: {  	s3 =	sadd.s32 $0x88, s3;
	s6 =	simm.s32 @!p1 $0x1082;
	[sflag:s4] =	ssyncset.s32 $0xFFFFF086  }
0x25: {  	[simem:s6], [sflag:s4] =	dma.local [hbm:s3], $0xF7A  }
0x26: {  	[smem:$0x3F9D] =	sst s1;
	(tag) =	ssettag s2;
	_ =	strace s9  }
0x27: {  	s1 =	sld [smem:$0x3FAD]  }
0x28: {  	s2 =	sld [smem:$0x3FAE]  }
0x29: {  	s4 =	sld [smem:$0x3FB0]  }
0x2a: {  	p0 =	seq.s32 s5, $0x0;
	s5 =	sld [smem:$0x3FB1]  }
0x2b: {  	s6 =	sld [smem:$0x3FB2]  }
0x2c: {  	s7 =	sld [smem:$0x3FB3]  }
0x2d: {  	s3 =	simm.s32 $0x108;
	s8 =	sld [smem:$0x3FB4]  }
0x2e: {  	s3 =	simm.s32 @!p0 $0x1082;
	s9 =	sld [smem:$0x3FB5]  }
0x2f: {  	lr =	sadd.s32 s0, s3;
	s0 =	sld [smem:$0x3FAC]  }
0x30: {  	s3 =	sld [smem:$0x3FAF]  }
0x31: {  	[smem:$0x3FB8] =	sst s10  }
0x32: {  	s10 =	sld [smem:$0x3FB6];
	_ =	sdelay $0x3  }
0x33: {  	p0 =	seq.s32 s10, $0x1;
	s10 =	sld [smem:$0x3FB8];
	_ =	sdelay $0x3  }
0x34: {  	[smem:$0x3FB8] =	sst s10  }
0x35: {  	s10 =	sld [smem:$0x3FB7];
	_ =	sdelay $0x3  }
0x36: {  	p1 =	seq.s32 s10, $0x1;
	s10 =	sld [smem:$0x3FB8];
	_ =	sdelay $0x3  }
0x37: {  	[smem:$0x3FB8] =	sst s10  }
0x38: {  	s10 =	sld [smem:$0x3FB9]  }
0x39: {  	_ = 	snop;
	(pc) =	sbr.ind lr, $3  }
0x3a: {  	_ = 	snop  }
0x3b: {  	_ = 	snop  }
0x3c: {  	p2 =	seq.s32 s10, $0x1;
	s10 =	sld [smem:$0x3FB8]  }
0x3d: {  	_ =	shalt  }
0x3e: {  	_ =	shalt  }
0x3f: {  	_ =	shalt  }
0x40: {  	_ =	shalt  }
0x41: {  	_ =	shalt  }
0x42: {  	_ =	shalt  }
0x43: {  	_ =	shalt  }
0x44: {  	_ =	shalt  }
0x45: {  	_ =	shalt  }
0x46: {  	_ =	shalt  }
0x47: {  	_ =	shalt  }
0x48: {  	_ =	shalt  }
0x49: {  	_ =	shalt  }
0x4a: {  	_ =	shalt  }
0x4b: {  	_ =	shalt  }
0x4c: {  	_ =	shalt  }
0x4d: {  	_ =	shalt  }
0x4e: {  	_ =	shalt  }
0x4f: {  	_ =	shalt  }
0x50: {  	_ =	shalt  }
0x51: {  	_ =	shalt  }
0x52: {  	_ =	shalt  }
0x53: {  	_ =	shalt  }
0x54: {  	_ =	shalt  }
0x55: {  	_ =	shalt  }
0x56: {  	_ =	shalt  }
0x57: {  	_ =	shalt  }
0x58: {  	_ =	shalt  }
0x59: {  	_ =	shalt  }
0x5a: {  	_ =	shalt  }
0x5b: {  	_ =	shalt  }
0x5c: {  	_ =	shalt  }
0x5d: {  	_ =	shalt  }
0x5e: {  	_ =	shalt  }
0x5f: {  	_ =	shalt  }
0x60: {  	_ =	shalt  }
0x61: {  	_ =	shalt  }
0x62: {  	_ =	shalt  }
0x63: {  	_ =	shalt  }
0x64: {  	_ =	shalt  }
0x65: {  	_ =	shalt  }
0x66: {  	_ =	shalt  }
0x67: {  	_ =	shalt  }
0x68: {  	_ =	shalt  }
0x69: {  	_ =	shalt  }
0x6a: {  	_ =	shalt  }
0x6b: {  	_ =	shalt  }
0x6c: {  	_ =	shalt  }
0x6d: {  	_ =	shalt  }
0x6e: {  	_ =	shalt  }
0x6f: {  	_ =	shalt  }
0x70: {  	_ =	shalt  }
0x71: {  	_ =	shalt  }
0x72: {  	_ =	shalt  }
0x73: {  	_ =	shalt  }
0x74: {  	_ =	shalt  }
0x75: {  	_ =	shalt  }
0x76: {  	_ =	shalt  }
0x77: {  	_ =	shalt  }
0x78: {  	_ =	shalt  }
0x79: {  	_ =	shalt  }
0x7a: {  	_ =	shalt  }
0x7b: {  	_ =	shalt  }
0x7c: {  	_ =	shalt  }
0x7d: {  	_ =	shalt  }
0x7e: {  	_ =	shalt  }
0x7f: {  	_ =	shalt  }
0x80: {  	_ =	shalt  }
0x81: {  	_ =	shalt  }
0x82: {  	_ =	shalt  }
0x83: {  	_ =	shalt  }
0x84: {  	_ =	shalt  }
0x85: {  	_ =	shalt  }
0x86: {  	_ =	shalt  }
0x87: {  	_ =	shalt  }
.Lfunc_end0:
.L_simem_size_0:
called_computation_lowered:
.L_overlay_start_0:
0x88: {  	s2 =	sld [smem:$0x3FD9]  }
0x89: {  	s3 =	sld [smem:$0x3FFE];
	_ =	sdelay $0x1  }
0x8a: {  	s1 =	srdreg.scid  }
0x8b: {  	s0 =	sand.u32 $0x1, s1  }
0x8c: {  	s18 =	sshll.u32 s0, $0xA;
	s2 =	sadd.s32 s3, s2  }
0x8d: {  	s2 =	sadd.s32 s2, s18  }
0x8e: {  	[smem:$0x3FC4] =	sst s2  }
0x8f: {  	_ = 	snop  }
0x90: {  	s2 =	sld [smem:$0x3FC9]  }
0x91: {  	s19 =	sld [smem:$0x3FC8]  }
0x92: {  	s4 =	sld [smem:$0x3FC7]  }
0x93: {  	s5 =	sld [smem:$0x3FC6]  }
0x94: {  	s6 =	sld [smem:$0x3FD0];
	(tm) =	ssettm $0x1  }
0x95: {  	s7 =	sld [smem:$0x3FFB];
	_ =	sdelay $0x3  }
0x96: {  	_ =	strace s7  }
0x97: {  	s7 =	sld [smem:$0x3FFC];
	_ =	sdelay $0x3  }
0x98: {  	_ =	strace s7  }
0x99: {  	s7 =	sld [smem:$0x3FFD];
	_ =	sdelay $0x3  }
0x9a: {  	_ =	strace s7  }
0x9b: {  	_ =	strace $0x8FFFFFFF  }
0x9c: {  	s20 =	sld [smem:$0x3FDB];
	_ =	sdelay $0x1  }
0x9d: {  	s8 =	simm.s32 $_scs_section_size  }
0x9e: {  	s9 =	simm.s32 $_size__tile_overlayer_lowered;
	s10 =	simm.s32 $_tile_overlayer_lowered  }
0x9f: {  	s23 =	simm.s32 $0x1BFF;
	s22 =	sshll.u32 s10, $0x1;
	s7 =	sadd.s32 s8, s20  }
0xa0: {  	s11 =	simm.s32 $0x0;
	s21 =	sshll.u32 s9, $0x1;
	s9 =	sadd.s32 s22, s7  }
0xa1: {  	[timem:s11], [sflag:s23] =	dma.local [hbm:s9], s21  }
0xa2: {  	_ =	swait.ge [sflag:s23], s21  }
0xa3: {  	s8 =	ssub.s32 $0x0, s21;
	[sflag:s23] =	ssyncset.done $0x0  }
0xa4: {  	[sflag:s23] =	ssyncadd.s32 s8;
	_ =	sdelay $0x1  }
0xa5: {  	s24 =	simm.s32 $0x1B8B  }
0xa6: {  	_ =	swait.ge [sflag:s24], $0x1  }
0xa7: {  	[sflag:s24] =	ssyncset.done $0x0  }
0xa8: {  	s25 =	simm.s32 $0x1B8E;
	[sflag:s24] =	ssyncadd.s32 $0xFFFFFFFF  }
0xa9: {  	s26 =	simm.s32 $execute0_lowered;
	[smem:$0x3FD2] =	sst s25  }
0xaa: {  	s8 =	sshll.u32 s26, $0x1;
	_ =	strace $0x80000046;
	[dreg:$0x1] =	wrdreg $0xFFFFFFFF  }
0xab: {  	s28 =	simm.s32 $_size_execute0_lowered;
	s7 =	sadd.s32 s7, s8;
	[dreg:$0x0] =	wrdreg $0x0  }
0xac: {  	s8 =	sshll.u32 s28, $0x1;
	[dreg:$0x2] =	wrdreg s7  }
0xad: {  	[dreg:$0x3] =	wrdreg s8  }
0xae: {  	[dreg:$0x4] =	wrdreg $0xC0  }
0xaf: {  	_ =	task [dreg:s11], $0x5FFFF  }
0xb0: {  	[dreg:$0x1] =	wrdreg $0xFFFFFFFF  }
0xb1: {  	[dreg:$0x0] =	wrdreg $0x60  }
0xb2: {  	[dreg:$0x2] =	wrdreg s2  }
0xb3: {  	[dreg:$0x3] =	wrdreg s19  }
0xb4: {  	[dreg:$0x4] =	wrdreg s4  }
0xb5: {  	[dreg:$0x5] =	wrdreg s5  }
0xb6: {  	[dreg:$0x6] =	wrdreg s6  }
0xb7: {  	[dreg:$0x7] =	wrdreg $0x9  }
0xb8: {  	_ =	task.clear_ibuf [dreg:s11], $0x8FFFF;
	_ =	strace $0x90000046  }
0xb9: {  	s29 =	simm.s32 $0x9;
	_ =	strace $0x80000048  }
0xba: {  	_ =	swait.ge [sflag:s29], $0x1  }
0xbb: {  	[sflag:s29] =	ssyncadd.s32 $0xFFFFFFFF  }
0xbc: {  	_ =	strace $0x90000048  }
0xbd: {  	_ =	sfence  }
0xbe: {  	s30 =	sld [smem:$0x0];
	_ =	sdelay $0x2  }
0xbf: {  	s31 =	sshll.u32 s1, $0xD;
	s1 =	sshrl.u32 s1, $0x2  }
0xc0: {  	s3 =	sand.u32 $0x4000, s31;
	s1 =	sadd.s32 s1, s30  }
0xc1: {  	s0 =	sor.u32 s3, s0;
	s1 =	sshll.u32 s1, $0x11  }
0xc2: {  	s0 =	sor.u32 s1, s0  }
0xc3: {  	s0 =	sadd.s32 $0x8F2B, s0  }
0xc4: {  	[sflag:s0] =	ssyncadd.remote.s32 $0x1  }
0xc5: {  	_ =	sfence.sel $0xFFFF  }
0xc6: {  	[dreg:$0x0] =	wrdreg $0xFFFFFFFF;
	(pc) =	sbr.abs _section_cstart, $3  }
0xc7: {  	[dreg:$0x1] =	wrdreg $0xFFFFFFFF  }
0xc8: {  	_ =	task.clear_ibuf [dreg:s11], $0x2FFFF;
	_ =	strace $0x9FFFFFFF  }
0xc9: {  	(tm) =	ssettm $0x7FFFFFFF  }
tec
execute0_lowered:
.L_overlay_start_1:
0x0: {  	(tag) =	ssettag $0x1  }
0x1: {  	s0 =	rddreg [dreg:$0x0]  }
0x2: {  	s1 =	rddreg [dreg:$0x4]  }
0x3: {  	s2 =	srdreg.scid;
	s3 =	stileid.u32;
	s5 =	simm.s32 $0x0  }
0x4: {  	s18 =	simm.s32 $0x3480;
	s19 =	simm.s32 $0x3680;
	s20 =	simm.s32 $0x3880  }
0x5: {  	s21 =	simm.s32 $0x3A80;
	s22 =	simm.s32 $0x1C00;
	s23 =	simm.s32 $0x2400  }
0x6: {  	s24 =	simm.s32 $0x1;
	s28 =	simm.s32 $0x3C80;
	s29 =	simm.s32 $0x3  }
0x7: {  	s30 =	simm.s32 $0x0;
	s31 =	simm.s32 $0x0;
	s2 =	sand.u32 $0x1, s2  }
0x8: {  	s3 =	sshll.u32 s3, $0x1;
	[smem:$0x7FF] =	sst s5;
	s4 =	ssub.s32 $0x2, s2  }
0x9: {  	s2 =	sor.u32 s2, s3;
	_ =	strace $0x80000047;
	s25 =	sshrl.u32 s4, $0x1  }
.Ltmp0:
0xa: {  	s6 =	sshll.u32 s2, $0x6;
	s26 =	sshll.u32 s2, $0xC;
	(pc) =	sbr.rel .LBB2_1-.Ltmp0, $4  }
0xb: {  	s3 =	ssub.s32 s4, s25;
	s6 =	sadd.s32 s0, s6;
	s13 =	sadd.s32 s1, s26  }
0xc: {  	s25 =	simm.s32 $0x2;
	s26 =	simm.s32 $0x2600;
	s7 =	sadd.s32 $0x800, s6  }
0xd: {  	s8 =	sadd.s32 $0x1000, s6;
	s9 =	sadd.s32 $0x1800, s6;
	s10 =	sadd.s32 $0x2000, s6  }
0xe: {  	v0 =	vimm.s32 $0x0;
	s11 =	sadd.s32 $0x2800, s6;
	s12 =	sadd.s32 $0x3000, s6;
	s14 =	smax.u32 s3, $0x1  }
.LBB2_13:
0xf: {  	s30 =	sadd.s32 $0x1, s30  }
0x10: {  	p0 =	sne.s32 s30, s14  }
.Ltmp1:
0x11: {  	_ = 	snop;
	(pc) =	sbr.rel @!p0 .LBB2_14-.Ltmp1, $4  }
0x12: {  	[hbm4b:s13+s5] =	stream.linear.scatter [tilespmem:s28], [sflag:$0x3], $0x8000, $0x38;
	[tilespmem:$0xBC80] =	vst v63  }
0x13: {  	_ =	swait.ge [sflag:s29], $0x8000  }
0x14: {  	[sflag:s29] =	ssyncset.done $0x0  }
0x15: {  	[sflag:s29] =	ssyncadd.s32 $0xFFFF8000  }
.LBB2_1:
0x16: {  	s0 =	simm.s32 $0x2E80  }
0x17: {  	[tilespmem:s0], [sflag:$0x2] =	stream.linear.gather [hbm4b:s6+s5], $0x200, $0x38;
	[tilespmem:$0xBC80] =	vst v63  }
0x18: {  	s3 =	simm.s32 $0x3080  }
0x19: {  	[tilespmem:s3], [sflag:$0x2] =	stream.linear.gather [hbm4b:s7+s5], $0x200, $0x38;
	[tilespmem:$0xBC80] =	vst v63  }
0x1a: {  	s4 =	simm.s32 $0x3280  }
0x1b: {  	[tilespmem:s4], [sflag:$0x2] =	stream.linear.gather [hbm4b:s8+s5], $0x200, $0x38;
	[tilespmem:$0xBC80] =	vst v63  }
0x1c: {  	_ = 	snop  }
0x1d: {  	[tilespmem:s18], [sflag:$0x2] =	stream.linear.gather [hbm4b:s9+s5], $0x200, $0x38;
	[tilespmem:$0xBC80] =	vst v63  }
0x1e: {  	_ = 	snop  }
0x1f: {  	[tilespmem:s19], [sflag:$0x2] =	stream.linear.gather [hbm4b:s10+s5], $0x200, $0x38;
	[tilespmem:$0xBC80] =	vst v63  }
0x20: {  	_ = 	snop  }
0x21: {  	[tilespmem:s20], [sflag:$0x2] =	stream.linear.gather [hbm4b:s11+s5], $0x200, $0x38;
	[tilespmem:$0xBC80] =	vst v63  }
0x22: {  	_ = 	snop  }
0x23: {  	[tilespmem:s21], [sflag:$0x2] =	stream.linear.gather [hbm4b:s12+s5], $0x200, $0x38;
	[tilespmem:$0xBC80] =	vst v63  }
0x24: {  	s15 =	rddreg [dreg:$0x1]  }
0x25: {  	[tilespmem:s5], [sflag:$0x1] =	stream.linear.gather [hbm4b:s15+s5], $0x1A00, $0x38;
	[tilespmem:$0xBC80] =	vst v63  }
0x26: {  	s16 =	rddreg [dreg:$0x2]  }
0x27: {  	[tilespmem:s22], [sflag:$0x1] =	stream.linear.gather [hbm4b:s16+s5], $0x680, $0x38;
	[tilespmem:$0xBC80] =	vst v63  }
0x28: {  	s17 =	rddreg [dreg:$0x3]  }
0x29: {  	[tilespmem:s23], [sflag:$0x1] =	stream.linear.gather [hbm4b:s17+s5], $0x200, $0x38;
	[tilespmem:$0xBC80] =	vst v63  }
0x2a: {  	_ =	swait.ge [sflag:s24], $0x1A00  }
0x2b: {  	[sflag:s24] =	ssyncset.done $0x0  }
0x2c: {  	[sflag:s24] =	ssyncadd.s32 $0xFFFFE600  }
0x2d: {  	_ =	swait.ge [sflag:s24], $0x680  }
0x2e: {  	[sflag:s24] =	ssyncset.done $0x0  }
0x2f: {  	[sflag:s24] =	ssyncadd.s32 $0xFFFFF980  }
0x30: {  	_ =	swait.ge [sflag:s24], $0x200  }
0x31: {  	[sflag:s24] =	ssyncset.done $0x0  }
0x32: {  	s0 =	simm.s32 $0x20;
	[sflag:s24] =	ssyncadd.s32 $0xFFFFFE00  }
0x33: {  	s1 =	simm.s32 $0x0;
	v1 =	vld [tilespmem:s0+$0xFFFFFFE0]  }
0x34: {  	s2 =	sand.u32 $0x1FFFFF80, s1;
	v2 =	vld [tilespmem:s0+$0xFFFFFFF0]  }
0x35: {  	v3 =	vld [tilespmem:s2+$0x1C00]  }
0x36: {  	s4 =	sand.u32 $0x180, s5;
	v4 =	vld [tilespmem:s2+$0x1C10]  }
0x37: {  	v5 =	vld [tilespmem:s4+$0x2410]  }
0x38: {  	v6 =	vld [tilespmem:s4+$0x2400];
	_ =	sdelay $0x2  }
0x39: {  	v1 =	vadd.f32 v3, v1;
	v2 =	vadd.f32 v4, v2;
	_ =	sdelay $0x1  }
0x3a: {  	v1 =	vadd.f32 v6, v1;
	v2 =	vadd.f32 v5, v2;
	_ =	sdelay $0x1  }
0x3b: {  	s1 =	simm.s32 $0x2610;
	v1 =	vpack.i.f32.bf16 v2, v1  }
0x3c: {  	[tilespmem:s1+$0xFFFFFFF0] =	vst v1  }
0x3d: {  	v5 =	vld [tilespmem:s0+$0x0]  }
0x3e: {  	v6 =	vld [tilespmem:s2+$0x1C20]  }
0x3f: {  	v2 =	vld [tilespmem:s0+$0x10]  }
0x40: {  	v4 =	vld [tilespmem:s2+$0x1C30]  }
0x41: {  	v1 =	vld [tilespmem:s4+$0x2430]  }
0x42: {  	v3 =	vld [tilespmem:s4+$0x2420]  }
0x43: {  	s3 =	simm.s32 $0x80;
	s2 =	simm.s32 $0x2610;
	v5 =	vadd.f32 v6, v5  }
.LBB2_2:
0x44: {  	_ = 	snop  }
0x45: {  	p0 =	sne.s32 s3, $0x1980;
	s1 =	sadd.s32 $0x21, s1;
	s0 =	sadd.s32 $0x80, s0;
	v2 =	vadd.f32 v4, v2  }
0x46: {  	s4 =	smov.u32 s3;
	s3 =	sadd.s32 $0x80, s3  }
0x47: {  	v3 =	vadd.f32 v3, v5;
	v1 =	vadd.f32 v1, v2;
	_ =	sdelay $0x1  }
0x48: {  	v1 =	vpack.i.f32.bf16 v1, v3  }
0x49: {  	s15 =	sshrl.u32 s4, $0x2;
	[tilespmem:s2+$0x0] =	vst v1;
	s2 =	smov.u32 s1  }
0x4a: {  	s15 =	sand.u32 $0x1FFFFF80, s15;
	v1 =	vld [tilespmem:s0+$0xFFFFFFE0]  }
0x4b: {  	v2 =	vld [tilespmem:s0+$0xFFFFFFF0]  }
0x4c: {  	v3 =	vld [tilespmem:s15+$0x1C00]  }
0x4d: {  	s4 =	sand.u32 $0x180, s4;
	v4 =	vld [tilespmem:s15+$0x1C10]  }
0x4e: {  	v5 =	vld [tilespmem:s4+$0x2410]  }
0x4f: {  	v6 =	vld [tilespmem:s4+$0x2400];
	_ =	sdelay $0x1  }
0x50: {  	v1 =	vadd.f32 v3, v1  }
0x51: {  	v2 =	vadd.f32 v4, v2;
	_ =	sdelay $0x1  }
0x52: {  	v1 =	vadd.f32 v6, v1;
	v2 =	vadd.f32 v5, v2;
	_ =	sdelay $0x1  }
0x53: {  	v1 =	vpack.i.f32.bf16 v2, v1  }
0x54: {  	[tilespmem:s1+$0xFFFFFFF0] =	vst v1  }
0x55: {  	v5 =	vld [tilespmem:s0+$0x0]  }
0x56: {  	v6 =	vld [tilespmem:s15+$0x1C20]  }
.Ltmp2:
0x57: {  	v2 =	vld [tilespmem:s0+$0x10];
	(pc) =	sbr.rel @p0 .LBB2_2-.Ltmp2, $4  }
0x58: {  	v4 =	vld [tilespmem:s15+$0x1C30]  }
0x59: {  	v1 =	vld [tilespmem:s4+$0x2430]  }
0x5a: {  	v3 =	vld [tilespmem:s4+$0x2420]  }
0x5b: {  	v5 =	vadd.f32 v6, v5  }
0x5c: {  	_ = 	snop  }
0x5d: {  	v2 =	vadd.f32 v4, v2;
	_ =	sdelay $0x1  }
0x5e: {  	v3 =	vadd.f32 v3, v5;
	v1 =	vadd.f32 v1, v2;
	_ =	sdelay $0x1  }
0x5f: {  	v1 =	vpack.i.f32.bf16 v1, v3  }
0x60: {  	[tilespmem:s2+$0x0] =	vst v1  }
0x61: {  	[tilespmem:$0x2CB4] =	vst v0  }
0x62: {  	[tilespmem:$0x2CC4] =	vst v0  }
0x63: {  	[tilespmem:$0x2CD5] =	vst v0  }
0x64: {  	[tilespmem:$0x2CE5] =	vst v0  }
0x65: {  	[tilespmem:$0x2CF6] =	vst v0  }
0x66: {  	[tilespmem:$0x2D06] =	vst v0  }
0x67: {  	[tilespmem:$0x2D17] =	vst v0  }
0x68: {  	[tilespmem:$0x2D27] =	vst v0  }
0x69: {  	[tilespmem:$0x2D38] =	vst v0  }
0x6a: {  	[tilespmem:$0x2D48] =	vst v0  }
0x6b: {  	[tilespmem:$0x2D59] =	vst v0  }
0x6c: {  	[tilespmem:$0x2D69] =	vst v0  }
0x6d: {  	[tilespmem:$0x2D7A] =	vst v0  }
0x6e: {  	[tilespmem:$0x2D8A] =	vst v0  }
0x6f: {  	[tilespmem:$0x2D9B] =	vst v0  }
0x70: {  	[tilespmem:$0x2DAB] =	vst v0  }
0x71: {  	[tilespmem:$0x2DBC] =	vst v0  }
0x72: {  	[tilespmem:$0x2DCC] =	vst v0  }
0x73: {  	[tilespmem:$0x2DDD] =	vst v0  }
0x74: {  	[tilespmem:$0x2DED] =	vst v0  }
0x75: {  	[tilespmem:$0x2DFE] =	vst v0  }
0x76: {  	[tilespmem:$0x2E0E] =	vst v0  }
0x77: {  	[tilespmem:$0x2E1F] =	vst v0  }
0x78: {  	[tilespmem:$0x2E2F] =	vst v0  }
0x79: {  	_ =	swait.ge [sflag:s25], $0x200  }
0x7a: {  	[sflag:s25] =	ssyncset.done $0x0  }
0x7b: {  	[sflag:s25] =	ssyncadd.s32 $0xFFFFFE00  }
0x7c: {  	_ =	swait.ge [sflag:s25], $0x200  }
0x7d: {  	[sflag:s25] =	ssyncset.done $0x0  }
0x7e: {  	[sflag:s25] =	ssyncadd.s32 $0xFFFFFE00  }
0x7f: {  	_ =	swait.ge [sflag:s25], $0x200  }
0x80: {  	[sflag:s25] =	ssyncset.done $0x0  }
0x81: {  	[sflag:s25] =	ssyncadd.s32 $0xFFFFFE00  }
0x82: {  	_ =	swait.ge [sflag:s25], $0x200  }
0x83: {  	[sflag:s25] =	ssyncset.done $0x0  }
0x84: {  	[sflag:s25] =	ssyncadd.s32 $0xFFFFFE00  }
0x85: {  	_ =	swait.ge [sflag:s25], $0x200  }
0x86: {  	[sflag:s25] =	ssyncset.done $0x0  }
0x87: {  	[sflag:s25] =	ssyncadd.s32 $0xFFFFFE00  }
0x88: {  	_ =	swait.ge [sflag:s25], $0x200  }
0x89: {  	[sflag:s25] =	ssyncset.done $0x0  }
0x8a: {  	[sflag:s25] =	ssyncadd.s32 $0xFFFFFE00  }
0x8b: {  	_ =	swait.ge [sflag:s25], $0x200  }
0x8c: {  	[sflag:s25] =	ssyncset.done $0x0  }
0x8d: {  	s0 =	simm.s32 $0x0;
	s2 =	simm.s32 $0x0;
	[sflag:s25] =	ssyncadd.s32 $0xFFFFFE00  }
.LBB2_4:
0x8e: {  	v1 =	vld [tilespmem:s2+$0x2E80];
	s1 =	sand.u32 $0x1F0, s2  }
0x8f: {  	v2 =	vld [tilespmem:s1+$0x3080];
	_ =	sdelay $0x2  }
0x90: {  	v3 =	vld [tilespmem:s1+$0x3280]  }
0x91: {  	v5 =	vld [tilespmem:s1+$0x3480];
	v4 =	vmul.u32 $0x21, v1  }
0x92: {  	vm0 =	vgt.s32 v1, $0xFFFFFFFF;
	v6 =	vmul.u32 $0x21, v2  }
0x93: {  	s3 =	simm.s32 $0x1;
	v7 =	vld [tilespmem:s1+$0x3680];
	vm10 =	vgt.s32 v2, $0xFFFFFFFF;
	v1 =	vnsel vm0, $0x81F, v4  }
0x94: {  	v2 =	vnsel vm10, $0x81F, v6;
	v6 =	vadd.s32 s3, v1  }
0x95: {  	v4 =	vmul.u32 $0x21, v3  }
0x96: {  	s15 =	simm.s32 $0x3;
	v8 =	vld [tilespmem:s1+$0x3880];
	vm11 =	vgt.s32 v3, $0xFFFFFFFF;
	vm12 =	vgt.s32 v5, $0xFFFFFFFF;
	v9 =	vadd.s32 s3, v2  }
0x97: {  	v21 =	vadd.s32 s15, v1;
	v3 =	vnsel vm11, $0x81F, v4;
	v4 =	vmul.u32 $0x21, v5;
	v5 =	vld [tilespmem:s1+$0x3A80]  }
0x98: {  	v11 =	vmul.u32 $0x21, v7;
	v10 =	vadd.s32 s3, v3;
	v12 =	vld.idx.msk [tilespmem:v1+s26+$0x0], $0xffff  }
0x99: {  	vm13 =	vgt.s32 v7, $0xFFFFFFFF;
	v4 =	vnsel vm12, $0x81F, v4;
	v13 =	vld.idx.msk [tilespmem:v6+s26+$0x0], $0xffff  }
0x9a: {  	v14 =	vadd.s32 s3, v4;
	v6 =	vnsel vm13, $0x81F, v11;
	v11 =	vld.idx.msk [tilespmem:v2+s26+$0x0], $0xffff  }
0x9b: {  	v7 =	vmul.u32 $0x21, v8;
	v9 =	vld.idx.msk [tilespmem:v9+s26+$0x0], $0xffff  }
0x9c: {  	vm14 =	vgt.s32 v8, $0xFFFFFFFF;
	v25 =	vld.idx.msk [tilespmem:v21+s26+$0x0], $0xffff;
	v15 =	vadd.s32 s3, v6  }
0x9d: {  	v7 =	vnsel vm14, $0x81F, v7;
	v8 =	vmul.u32 $0x21, v5;
	v10 =	vld.idx.msk [tilespmem:v10+s26+$0x0], $0xffff  }
0x9e: {  	v17 =	vadd.s32 s3, v7;
	vm15 =	vgt.s32 v5, $0xFFFFFFFF;
	v16 =	vld.idx.msk [tilespmem:v3+s26+$0x0], $0xffff  }
0x9f: {  	v5 =	vnsel vm15, $0x81F, v8;
	v14 =	vld.idx.msk [tilespmem:v14+s26+$0x0], $0xffff  }
0xa0: {  	v18 =	vld.idx.msk [tilespmem:v4+s26+$0x0], $0xffff;
	v19 =	vadd.s32 s3, v5;
	v9 =	vadd.bf16 v9, v13  }
0xa1: {  	v8 =	vadd.s32 $0x2, v1;
	v13 =	vld.idx.msk [tilespmem:v15+s26+$0x0], $0xffff  }
0xa2: {  	v20 =	vld.idx.msk [tilespmem:v6+s26+$0x0], $0xffff;
	v11 =	vadd.bf16 v11, v12;
	v15 =	vadd.s32 s31, v8;
	v10 =	vadd.bf16 v10, v9  }
0xa3: {  	v21 =	vadd.s32 s15, v4;
	v12 =	vld.idx.msk [tilespmem:v17+s26+$0x0], $0xffff;
	v17 =	vadd.s32 s15, v2  }
0xa4: {  	v22 =	vld.idx.msk [tilespmem:v7+s26+$0x0], $0xffff;
	v11 =	vadd.bf16 v16, v11;
	v9 =	vadd.s32 $0x2, v2;
	v14 =	vadd.bf16 v14, v10  }
0xa5: {  	v23 =	vadd.s32 s31, v9;
	v16 =	vld.idx.msk [tilespmem:v19+s26+$0x0], $0xffff;
	v19 =	vadd.s32 s15, v3  }
0xa6: {  	v24 =	vld.idx.msk [tilespmem:v5+s26+$0x0], $0xffff;
	v18 =	vadd.bf16 v18, v11;
	v10 =	vadd.s32 $0x2, v3;
	v13 =	vadd.bf16 v13, v14  }
0xa7: {  	v11 =	vadd.s32 $0x2, v4;
	v26 =	vld.idx.msk [tilespmem:v15+s26+$0x0], $0xffff;
	v15 =	vadd.s32 s31, v10  }
0xa8: {  	s17 =	sshll.u32 s2, $0x2;
	s4 =	sand.u32 $0x7, s0;
	v27 =	vld.idx.msk [tilespmem:v17+s26+$0x0], $0xffff;
	v14 =	vadd.bf16 v20, v18;
	v18 =	vadd.s32 s15, v6;
	v13 =	vadd.bf16 v12, v13  }
0xa9: {  	s4 =	sshll.u32 s4, $0x6;
	v30 =	vadd.s32 s15, v7;
	s3 =	sand.u32 $0xFFFFFE00, s17;
	v28 =	vadd.s32 s31, v11;
	v17 =	vld.idx.msk [tilespmem:v21+s26+$0x0], $0xffff  }
0xaa: {  	s3 =	sor.u32 s4, s3;
	v12 =	vadd.s32 $0x2, v6;
	v20 =	vld.idx.msk [tilespmem:v23+s26+$0x0], $0xffff;
	v22 =	vadd.bf16 v22, v14;
	v16 =	vadd.bf16 v16, v13  }
0xab: {  	s16 =	sshrl.u32 s3, $0x2;
	v29 =	vld.idx.msk [tilespmem:v19+s26+$0x0], $0xffff;
	v14 =	vadd.s32 $0x2, v7;
	v19 =	vadd.s32 s31, v12  }
0xac: {  	s3 =	sadd.s32 $0x5E80, s16;
	v21 =	vadd.s32 s31, v14;
	v15 =	vld.idx.msk [tilespmem:v15+s26+$0x0], $0xffff;
	v31 =	vadd.bf16 v24, v22;
	v22 =	vunpack.i.u.bf16.f32 v16  }
0xad: {  	v13 =	vadd.s32 $0x2, v5;
	v18 =	vld.idx.msk [tilespmem:v18+s26+$0x0], $0xffff;
	v23 =	vunpack.i.l.bf16.f32 v16;
	[tilespmem:s3+$0x0] =	vst v22;
	v22 =	vadd.s32 s15, v5  }
0xae: {  	s4 =	simm.s32 $0x2;
	v27 =	vadd.bf16 v27, v25;
	v16 =	vld.idx.msk [tilespmem:v28+s26+$0x0], $0xffff;
	v25 =	vunpack.i.l.bf16.f32 v31;
	[tilespmem:s3+$0xFFFFE000] =	vst v23;
	v23 =	vadd.s32 s31, v13  }
0xaf: {  	v24 =	vadd.s32 s4, v8;
	v28 =	vunpack.i.u.bf16.f32 v31;
	s15 =	simm.s32 $0x5;
	[tilespmem:s3+$0xFFFFDE00] =	vst v25;
	v26 =	vadd.bf16 v20, v26;
	v20 =	vld.idx.msk [tilespmem:v30+s26+$0x0], $0xffff  }
0xb0: {  	s17 =	simm.s32 $0x6;
	s1 =	sadd.s32 $0x7C80, s16;
	s16 =	simm.s32 $0x4;
	v27 =	vadd.bf16 v29, v27;
	[tilespmem:s3+$0xFFFFFE00] =	vst v28;
	v19 =	vld.idx.msk [tilespmem:v19+s26+$0x0], $0xffff;
	v25 =	vadd.s32 s15, v1  }
.LBB2_5:
0xb1: {  	p0 =	slt.u32 s17, $0xE;
	v28 =	vadd.s32 s15, v2;
	v21 =	vld.idx.msk [tilespmem:v21+s26+$0x0], $0xffff  }
0xb2: {  	v29 =	vadd.s32 s4, v9;
	v15 =	vadd.bf16 v15, v26;
	v17 =	vadd.bf16 v17, v27;
	v22 =	vld.idx.msk [tilespmem:v22+s26+$0x0], $0xffff  }
0xb3: {  	v26 =	vadd.s32 s15, v3;
	v23 =	vld.idx.msk [tilespmem:v23+s26+$0x0], $0xffff  }
0xb4: {  	v27 =	vld.idx.msk [tilespmem:v24+s26+$0x0], $0xffff;
	v24 =	vadd.s32 s4, v10;
	v15 =	vadd.bf16 v16, v15;
	v16 =	vadd.bf16 v18, v17  }
0xb5: {  	v17 =	vadd.s32 s15, v4;
	v18 =	vld.idx.msk [tilespmem:v25+s26+$0x0], $0xffff  }
0xb6: {  	v25 =	vld.idx.msk [tilespmem:v28+s26+$0x0], $0xffff;
	v28 =	vadd.s32 s4, v11;
	v15 =	vadd.bf16 v19, v15;
	v16 =	vadd.bf16 v20, v16  }
0xb7: {  	v19 =	vadd.s32 s15, v6;
	v20 =	vld.idx.msk [tilespmem:v29+s26+$0x0], $0xffff  }
0xb8: {  	v29 =	vld.idx.msk [tilespmem:v26+s26+$0x0], $0xffff;
	v26 =	vadd.s32 s4, v12;
	v30 =	vadd.bf16 v21, v15;
	v16 =	vadd.bf16 v22, v16  }
0xb9: {  	v31 =	vadd.s32 s15, v7;
	v21 =	vadd.s32 s4, v14;
	v15 =	vld.idx.msk [tilespmem:v24+s26+$0x0], $0xffff  }
.Ltmp3:
0xba: {  	s3 =	sadd.s32 $0x400, s3;
	v17 =	vld.idx.msk [tilespmem:v17+s26+$0x0], $0xffff;
	v30 =	vadd.bf16 v23, v30;
	v23 =	vunpack.i.u.bf16.f32 v16;
	v24 =	vunpack.i.l.bf16.f32 v16;
	(pc) =	sbr.rel @p0 .LBB2_5-.Ltmp3, $4  }
0xbb: {  	v22 =	vadd.s32 s15, v5;
	v16 =	vld.idx.msk [tilespmem:v28+s26+$0x0], $0xffff;
	[tilespmem:s3+$0x0] =	vst v23  }
0xbc: {  	v28 =	vadd.bf16 v25, v18;
	v23 =	vadd.s32 s4, v13;
	s4 =	smov.u32 s16;
	s16 =	smov.u32 s17;
	v18 =	vld.idx.msk [tilespmem:v19+s26+$0x0], $0xffff;
	v25 =	vunpack.i.l.bf16.f32 v30;
	[tilespmem:s3+$0xFFFFE000] =	vst v24  }
0xbd: {  	s15 =	sadd.s32 $0x1, s17;
	v24 =	vadd.s32 s4, v8;
	v30 =	vunpack.i.u.bf16.f32 v30;
	v19 =	vld.idx.msk [tilespmem:v26+s26+$0x0], $0xffff;
	[tilespmem:s3+$0xFFFFDE00] =	vst v25  }
0xbe: {  	s17 =	sadd.s32 $0x2, s17;
	v25 =	vadd.s32 s15, v1;
	v26 =	vadd.bf16 v20, v27;
	v27 =	vadd.bf16 v29, v28;
	v20 =	vld.idx.msk [tilespmem:v31+s26+$0x0], $0xffff;
	[tilespmem:s3+$0xFFFFFE00] =	vst v30  }
0xbf: {  	_ =	sdelay $0x3  }
0xc0: {  	v8 =	vadd.s32 s15, v2;
	v21 =	vld.idx.msk [tilespmem:v21+s26+$0x0], $0xffff  }
0xc1: {  	v9 =	vadd.s32 s4, v9;
	v22 =	vld.idx.msk [tilespmem:v22+s26+$0x0], $0xffff  }
0xc2: {  	v28 =	vadd.s32 s15, v3;
	v23 =	vld.idx.msk [tilespmem:v23+s26+$0x0], $0xffff  }
0xc3: {  	v24 =	vld.idx.msk [tilespmem:v24+s26+$0x0], $0xffff;
	v10 =	vadd.s32 s4, v10  }
0xc4: {  	v25 =	vld.idx.msk [tilespmem:v25+s26+$0x0], $0xffff;
	v29 =	vadd.s32 s15, v4  }
0xc5: {  	v11 =	vadd.s32 s4, v11;
	v8 =	vld.idx.msk [tilespmem:v8+s26+$0x0], $0xffff  }
0xc6: {  	v30 =	vadd.s32 s15, v6;
	v9 =	vld.idx.msk [tilespmem:v9+s26+$0x0], $0xffff  }
0xc7: {  	v12 =	vadd.s32 s4, v12;
	v28 =	vld.idx.msk [tilespmem:v28+s26+$0x0], $0xffff  }
0xc8: {  	v31 =	vadd.s32 s15, v7;
	v10 =	vld.idx.msk [tilespmem:v10+s26+$0x0], $0xffff  }
0xc9: {  	v14 =	vadd.s32 s4, v14;
	v15 =	vadd.bf16 v15, v26;
	v17 =	vadd.bf16 v17, v27;
	v62 =	vld.idx.msk [tilespmem:v29+s26+$0x0], $0xffff  }
0xca: {  	v63 =	vadd.s32 s15, v5;
	v11 =	vld.idx.msk [tilespmem:v11+s26+$0x0], $0xffff;
	v8 =	vadd.bf16 v8, v25  }
0xcb: {  	v15 =	vadd.bf16 v16, v15;
	v16 =	vadd.bf16 v18, v17;
	v17 =	vld.idx.msk [tilespmem:v30+s26+$0x0], $0xffff  }
0xcc: {  	v13 =	vadd.s32 s4, v13;
	v12 =	vld.idx.msk [tilespmem:v12+s26+$0x0], $0xffff;
	v9 =	vadd.bf16 v9, v24;
	v8 =	vadd.bf16 v28, v8  }
0xcd: {  	v15 =	vadd.bf16 v19, v15;
	v16 =	vadd.bf16 v20, v16;
	v18 =	vld.idx.msk [tilespmem:v31+s26+$0x0], $0xffff  }
0xce: {  	v14 =	vld.idx.msk [tilespmem:v14+s26+$0x0], $0xffff;
	v9 =	vadd.bf16 v10, v9;
	v8 =	vadd.bf16 v62, v8  }
0xcf: {  	v10 =	vadd.bf16 v21, v15;
	v15 =	vadd.bf16 v22, v16;
	v16 =	vld.idx.msk [tilespmem:v63+s26+$0x0], $0xffff  }
0xd0: {  	v9 =	vadd.bf16 v11, v9;
	v8 =	vadd.bf16 v17, v8  }
0xd1: {  	v10 =	vadd.bf16 v23, v10;
	v11 =	vld.idx.msk [tilespmem:v13+s26+$0x0], $0xffff  }
0xd2: {  	s3 =	sadd.s32 $0x400, s3;
	v13 =	vunpack.i.u.bf16.f32 v15;
	v9 =	vadd.bf16 v12, v9;
	v8 =	vadd.bf16 v18, v8  }
0xd3: {  	[tilespmem:s3+$0x0] =	vst v13;
	v12 =	vunpack.i.l.bf16.f32 v15  }
0xd4: {  	v13 =	vunpack.i.l.bf16.f32 v10;
	[tilespmem:s3+$0xFFFFE000] =	vst v12;
	v9 =	vadd.bf16 v14, v9;
	v8 =	vadd.bf16 v16, v8  }
0xd5: {  	s15 =	simm.s32 $0x10;
	v10 =	vunpack.i.u.bf16.f32 v10;
	[tilespmem:s3+$0xFFFFDE00] =	vst v13  }
0xd6: {  	s17 =	simm.s32 $0x11;
	[tilespmem:s3+$0xFFFFFE00] =	vst v10;
	s3 =	sadd.s32 $0x400, s3;
	v9 =	vadd.bf16 v11, v9;
	v11 =	vadd.s32 s15, v1;
	v10 =	vunpack.i.u.bf16.f32 v8  }
0xd7: {  	v13 =	vadd.s32 s17, v2;
	v8 =	vunpack.i.l.bf16.f32 v8;
	[tilespmem:s3+$0x0] =	vst v10  }
0xd8: {  	v12 =	vunpack.i.l.bf16.f32 v9;
	v10 =	vadd.s32 s17, v1;
	[tilespmem:s3+$0xFFFFE000] =	vst v8  }
0xd9: {  	v8 =	vunpack.i.u.bf16.f32 v9;
	[tilespmem:s3+$0xFFFFDE00] =	vst v12;
	v9 =	vadd.s32 s15, v2  }
0xda: {  	v12 =	vadd.s32 s17, v3;
	[tilespmem:s3+$0xFFFFFE00] =	vst v8  }
0xdb: {  	v14 =	vadd.s32 s15, v3;
	v8 =	vld.idx.msk [tilespmem:v11+s26+$0x0], $0xffff  }
0xdc: {  	v15 =	vadd.s32 s17, v4;
	v16 =	vld.idx.msk [tilespmem:v13+s26+$0x0], $0xffff  }
0xdd: {  	p1 =	por $0x1, $0x1;
	v19 =	vadd.s32 s15, v4;
	v10 =	vld.idx.msk [tilespmem:v10+s26+$0x0], $0xffff  }
.Ltmp4:
0xde: {  	v13 =	vld.idx.msk [tilespmem:v9+s26+$0x0], $0xffff;
	(pc) =	sbr.rel @!p1 .LBB2_7-.Ltmp4, $4  }
0xdf: {  	v11 =	vld.idx.msk [tilespmem:v12+s26+$0x0], $0xffff  }
0xe0: {  	v9 =	vld.idx.msk [tilespmem:v14+s26+$0x0], $0xffff  }
0xe1: {  	v20 =	vadd.s32 s17, v6;
	v17 =	vadd.s32 s15, v6;
	v12 =	vld.idx.msk [tilespmem:v15+s26+$0x0], $0xffff  }
0xe2: {  	p0 =	por $0x0, $0x0;
	v18 =	vadd.s32 s17, v7;
	v15 =	vadd.s32 s15, v7;
	v14 =	vld.idx.msk [tilespmem:v19+s26+$0x0], $0xffff;
	v19 =	vadd.s32 s17, v5  }
0xe3: {  	_ =	sdelay $0x3  }
0xe4: {  	s3 =	simm.s32 $0x12;
	v21 =	vadd.s32 s15, v5;
	v10 =	vadd.bf16 v16, v10;
	v16 =	vld.idx.msk [tilespmem:v20+s26+$0x0], $0xffff  }
0xe5: {  	s4 =	simm.s32 $0x13;
	v8 =	vadd.bf16 v13, v8;
	v13 =	vld.idx.msk [tilespmem:v17+s26+$0x0], $0xffff;
	v20 =	vadd.s32 s3, v1  }
0xe6: {  	v17 =	vadd.s32 s4, v1;
	v10 =	vadd.bf16 v11, v10;
	v11 =	vld.idx.msk [tilespmem:v18+s26+$0x0], $0xffff  }
0xe7: {  	v18 =	vadd.s32 s4, v2;
	v8 =	vadd.bf16 v9, v8;
	v9 =	vld.idx.msk [tilespmem:v15+s26+$0x0], $0xffff  }
0xe8: {  	v15 =	vadd.s32 s3, v2;
	v10 =	vadd.bf16 v12, v10;
	v12 =	vld.idx.msk [tilespmem:v19+s26+$0x0], $0xffff  }
0xe9: {  	v19 =	vadd.s32 s4, v3;
	v14 =	vadd.bf16 v14, v8;
	v21 =	vld.idx.msk [tilespmem:v21+s26+$0x0], $0xffff  }
0xea: {  	v22 =	vadd.s32 s3, v3;
	v8 =	vld.idx.msk [tilespmem:v20+s26+$0x0], $0xffff;
	v20 =	vadd.bf16 v16, v10  }
0xeb: {  	v23 =	vadd.s32 s4, v4;
	v10 =	vld.idx.msk [tilespmem:v17+s26+$0x0], $0xffff;
	v14 =	vadd.bf16 v13, v14  }
0xec: {  	p1 =	por $0x1, $0x1;
	v24 =	vadd.s32 s3, v4;
	v16 =	vld.idx.msk [tilespmem:v18+s26+$0x0], $0xffff;
	v17 =	vadd.bf16 v11, v20  }
.Ltmp5:
0xed: {  	v13 =	vld.idx.msk [tilespmem:v15+s26+$0x0], $0xffff;
	v14 =	vadd.bf16 v9, v14;
	v20 =	vadd.s32 s4, v6;
	(pc) =	sbr.rel @!p1 .LBB2_9-.Ltmp5, $4  }
0xee: {  	v11 =	vld.idx.msk [tilespmem:v19+s26+$0x0], $0xffff;
	v19 =	vadd.bf16 v12, v17;
	v17 =	vadd.s32 s3, v6  }
0xef: {  	v18 =	vadd.s32 s4, v7;
	v9 =	vld.idx.msk [tilespmem:v22+s26+$0x0], $0xffff;
	v22 =	vadd.bf16 v21, v14  }
0xf0: {  	v15 =	vadd.s32 s3, v7;
	v12 =	vld.idx.msk [tilespmem:v23+s26+$0x0], $0xffff;
	v25 =	vunpack.i.u.bf16.f32 v19  }
0xf1: {  	s15 =	simm.s32 $0x2;
	p0 =	por $0x1, $0x1;
	v14 =	vld.idx.msk [tilespmem:v24+s26+$0x0], $0xffff;
	v21 =	vunpack.i.l.bf16.f32 v19;
	v19 =	vadd.s32 s4, v5;
	v23 =	vunpack.i.l.bf16.f32 v22;
	s4 =	smov.u32 s1;
	[tilespmem:s1+$0x2200] =	vst v25  }
.LBB2_10:
0xf2: {  	v24 =	vadd.s32 s3, v5;
	s3 =	sadd.s32 $0x12, s15;
	v10 =	vadd.bf16 v16, v10;
	v16 =	vld.idx.msk [tilespmem:v20+s26+$0x0], $0xffff;
	v20 =	vunpack.i.u.bf16.f32 v22;
	[tilespmem:s4+$0x0] =	vst v23  }
0xf3: {  	s16 =	sadd.s32 $0x13, s15;
	v8 =	vadd.bf16 v13, v8;
	v22 =	vadd.s32 s3, v1;
	v13 =	vld.idx.msk [tilespmem:v17+s26+$0x0], $0xffff;
	[tilespmem:s4+$0x2000] =	vst v20  }
0xf4: {  	s15 =	sadd.s32 $0x2, s15;
	v17 =	vadd.s32 s16, v1;
	v10 =	vadd.bf16 v11, v10;
	v11 =	vld.idx.msk [tilespmem:v18+s26+$0x0], $0xffff;
	[tilespmem:s4+$0x200] =	vst v21  }
0xf5: {  	p1 =	slt.u32 s15, $0xE;
	v18 =	vadd.s32 s16, v2;
	v8 =	vadd.bf16 v9, v8;
	v9 =	vld.idx.msk [tilespmem:v15+s26+$0x0], $0xffff  }
0xf6: {  	v15 =	vadd.s32 s3, v2;
	v10 =	vadd.bf16 v12, v10;
	v12 =	vld.idx.msk [tilespmem:v19+s26+$0x0], $0xffff  }
0xf7: {  	v19 =	vadd.s32 s16, v3;
	v14 =	vadd.bf16 v14, v8;
	v21 =	vld.idx.msk [tilespmem:v24+s26+$0x0], $0xffff  }
0xf8: {  	v8 =	vld.idx.msk [tilespmem:v22+s26+$0x0], $0xffff;
	v22 =	vadd.s32 s3, v3;
	v20 =	vadd.bf16 v16, v10  }
0xf9: {  	v23 =	vadd.s32 s16, v4;
	v14 =	vadd.bf16 v13, v14;
	v10 =	vld.idx.msk [tilespmem:v17+s26+$0x0], $0xffff  }
0xfa: {  	v24 =	vadd.s32 s3, v4;
	v16 =	vld.idx.msk [tilespmem:v18+s26+$0x0], $0xffff;
	v18 =	vadd.bf16 v11, v20  }
.Ltmp6:
0xfb: {  	v20 =	vadd.s32 s16, v6;
	v14 =	vadd.bf16 v9, v14;
	v13 =	vld.idx.msk [tilespmem:v15+s26+$0x0], $0xffff;
	(pc) =	sbr.rel @p1 .LBB2_10-.Ltmp6, $4  }
0xfc: {  	v17 =	vadd.s32 s3, v6;
	v11 =	vld.idx.msk [tilespmem:v19+s26+$0x0], $0xffff;
	v19 =	vadd.bf16 v12, v18  }
0xfd: {  	v18 =	vadd.s32 s16, v7;
	v9 =	vld.idx.msk [tilespmem:v22+s26+$0x0], $0xffff;
	v22 =	vadd.bf16 v21, v14  }
0xfe: {  	s4 =	sadd.s32 $0x400, s4;
	v15 =	vadd.s32 s3, v7;
	v12 =	vld.idx.msk [tilespmem:v23+s26+$0x0], $0xffff;
	v25 =	vunpack.i.u.bf16.f32 v19;
	v21 =	vunpack.i.l.bf16.f32 v19  }
0xff: {  	v19 =	vadd.s32 s16, v5;
	v14 =	vld.idx.msk [tilespmem:v24+s26+$0x0], $0xffff;
	v23 =	vunpack.i.l.bf16.f32 v22;
	[tilespmem:s4+$0x2200] =	vst v25  }
0x100: {  	s15 =	smov.u32 s3  }
.LBB2_12:
0x101: {  	_ =	sdelay $0x2  }
0x102: {  	v1 =	vadd.bf16 v16, v10  }
0x103: {  	v2 =	vadd.s32 s15, v5;
	v3 =	vld.idx.msk [tilespmem:v20+s26+$0x0], $0xffff;
	v4 =	vadd.bf16 v13, v8  }
0x104: {  	v61 =	vld.idx.msk [tilespmem:v17+s26+$0x0], $0xffff;
	v1 =	vadd.bf16 v11, v1  }
0x105: {  	v6 =	vld.idx.msk [tilespmem:v18+s26+$0x0], $0xffff;
	v4 =	vadd.bf16 v9, v4  }
0x106: {  	v7 =	vld.idx.msk [tilespmem:v15+s26+$0x0], $0xffff;
	v1 =	vadd.bf16 v12, v1  }
0x107: {  	v62 =	vld.idx.msk [tilespmem:v19+s26+$0x0], $0xffff;
	v4 =	vadd.bf16 v14, v4  }
0x108: {  	v2 =	vld.idx.msk [tilespmem:v2+s26+$0x0], $0xffff;
	v1 =	vadd.bf16 v3, v1  }
0x109: {  	v3 =	vadd.bf16 v61, v4  }
0x10a: {  	v1 =	vadd.bf16 v6, v1  }
0x10b: {  	[tilespmem:s4+$0x0] =	vst @p0 v23;
	v3 =	vadd.bf16 v7, v3  }
0x10c: {  	s3 =	sadd.s32 @p0 $0x400, s4;
	[tilespmem:s4+$0x200] =	vst @p0 v21;
	v4 =	vunpack.i.u.bf16.f32 @p0 v22;
	v1 =	vadd.bf16 v62, v1  }
0x10d: {  	s1 =	smov.u32 @p0 s3;
	[tilespmem:s4+$0x2000] =	vst @p0 v4;
	p0 =	slt.u32 s2, $0x1F0;
	v2 =	vadd.bf16 v2, v3  }
.Ltmp7:
0x10e: {  	v3 =	vunpack.i.u.bf16.f32 v1;
	(pc) =	sbr.rel @p0 .LBB2_4-.Ltmp7, $4  }
.Ltmp8:
0x10f: {  	v63 =	vunpack.i.l.bf16.f32 v2;
	[tilespmem:s1+$0x2200] =	vst v3;
	(pc) =	sbr.rel @!p0 .LBB2_13-.Ltmp8, $4  }
0x110: {  	v2 =	vunpack.i.u.bf16.f32 v2;
	[tilespmem:s1+$0x0] =	vst v63  }
0x111: {  	s17 =	sadd.s32 $0x10, s2;
	v1 =	vunpack.i.l.bf16.f32 v1;
	[tilespmem:s1+$0x2000] =	vst v2  }
0x112: {  	s0 =	sadd.s32 $0x1, s0;
	s2 =	smov.u32 s17;
	[tilespmem:s1+$0x200] =	vst v1  }
0x113: {  	_ = 	snop  }
.LBB2_7:
.Ltmp9:
0x114: {  	(pc) =	sbr.rel .LBB2_12-.Ltmp9, $2  }
0x115: {  	_ =	sdelay $0x2  }
0x116: {  	s4 =	smov.u32 s1  }
.LBB2_9:
.Ltmp10:
0x117: {  	(pc) =	sbr.rel .LBB2_12-.Ltmp10, $2  }
0x118: {  	_ =	sdelay $0x2  }
0x119: {  	s15 =	simm.s32 $0x12;
	s4 =	smov.u32 s1  }
.LBB2_14:
0x11a: {  	_ =	sfence.sel $0x180000  }
0x11b: {  	[bflag:$0x0] =	sbarrier.arrive $0xFFFF  }
0x11c: {  	_ =	strace $0x90000047  }
0x11d: {  	s0 =	stileid.u32;
	[bflag:$0x2] =	sbarrier.arrive $0xFFFF  }
0x11e: {  	p0 =	sne.s32 s0, $0x0;
	s0 =	rddreg [dreg:$0x5]  }
0x11f: {  	s0 =	sadd.s32 @!p0 $0x100000, s0  }
0x120: {  	[sflag:s0] =	ssyncadd.tile.s32 @!p0 $0x1;
	_ =	shalt  }
.Lfunc_end2:
_tile_overlayer_lowered:
.L_overlay_start_2:
0x121: {  	(tag) =	ssettag $0x2  }
0x122: {  	s0 =	rddreg [dreg:$0x0];
	s2 =	stileid.u32  }
0x123: {  	s1 =	rddreg [dreg:$0x1];
	p0 =	sne.s32 s2, $0x0  }
0x124: {  	s3 =	rddreg [dreg:$0x2];
	[bflag:$0x3] =	sbarrier.arrive $0xFFFF;
	s2 =	simm.s32 @!p0 $0x1C03  }
0x125: {  	[timem:s3], [sflag:s2] =	dma.local @!p0 [hbm:s0], s1  }
0x126: {  	s0 =	simm.s32 @!p0 $0x3  }
0x127: {  	_ =	swait.ge @!p0 [sflag:s0], s1  }
0x128: {  	s1 =	ssub.s32 @!p0 $0x0, s1;
	[sflag:s0] =	ssyncset.done @!p0 $0x0  }
0x129: {  	[sflag:s0] =	ssyncadd.s32 @!p0 s1  }
0x12a: {  	[bflag:$0x3] =	sbarrier.arrive $0xFFFF  }
0x12b: {  	_ =	shalt  }

</sc_bundles>
